<compile_context>
chip_gen: v7x
topology: tpu7x:2x2x1
jax: 0.10.2.dev20260603
libtpu: 0.0.44.dev20260713+nightly
codegen_flags: <defaults>
</compile_context>

<pallas_src>
import jax
import jax.numpy as jnp
from jax import lax
from jax.experimental import pallas as pl
from jax.experimental.pallas import tpu as pltpu
from jax.experimental.pallas import tpu_sc as plsc

_N = 100000
_E = 3200000
_H = 16
_CK = 128
_NCHUNK = _E // _CK
_KD = 10
_GED = _KD * _CK
_NGD = _NCHUNK // _KD
_NW = 32
_QGD = _NGD // _NW
_RGD = _NGD - _QGD * _NW
_KE = 4
_GEE = _KE * _CK
_NGE = _NCHUNK // _KE
_QGE = _NGE // _NW
_RGE = _NGE - _QGE * _NW
_NP = 100352
_SL = _NP // 16
_ZF = _SL // _CK


def _sc_deg_body(ef, deg_out, idx, ones_v, zb, deg_sh, isem, ssem):
    cid = lax.axis_index("c")
    sid = lax.axis_index("s")
    w = cid * 16 + sid

    def zb_store(i, carry):
        zb[pl.ds(i * 16, 16)] = jnp.zeros((16,), jnp.float32)
        return carry

    lax.fori_loop(0, _SL // 16, zb_store, 0)
    pltpu.sync_copy(zb, deg_sh.at[pl.ds(sid * _SL, _SL)])

    def ones_store(i, carry):
        ones_v[pl.ds(i * 16, 16)] = jnp.ones((16,), jnp.float32)
        return carry

    lax.fori_loop(0, _GED // 16, ones_store, 0)
    plsc.subcore_barrier()

    base = w * _QGD + jnp.minimum(w, _RGD)
    ng = _QGD + jnp.where(w < _RGD, 1, 0)

    def drain_s(p):
        pltpu.make_async_copy(deg_out.at[pl.ds(0, _GED)],
                              zb.at[pl.ds(0, _GED)], ssem.at[p]).wait()

    def drain_i(buf):
        pltpu.make_async_copy(ef.at[pl.ds(0, _GED)], idx.at[buf],
                              isem.at[buf]).wait()

    def load_idx(g, buf):
        pltpu.async_copy(ef.at[pl.ds(_E + (base + g) * _GED, _GED)],
                         idx.at[buf], isem.at[buf])

    def scatters(g, buf):
        pltpu.async_copy(ones_v, deg_sh.at[idx.at[buf]],
                         ssem.at[lax.rem(g, 2)], add=True)

    load_idx(0, 0)
    load_idx(1, 1)

    def body(g, carry):
        b0 = lax.rem(g, 3)
        b2 = lax.rem(g + 2, 3)

        @pl.when(g + 2 < ng)
        def _prefetch():
            @pl.when(g >= 1)
            def _():
                drain_s(lax.rem(g - 1, 2))
            load_idx(g + 2, b2)

        drain_i(b0)
        scatters(g, b0)
        return carry

    lax.fori_loop(0, ng, body, 0)
    p = lax.rem(ng - 1, 2)
    drain_s(p)
    drain_s(p)
    drain_s(1 - p)
    plsc.subcore_barrier()
    pltpu.sync_copy(deg_sh.at[pl.ds(sid * _SL, _SL)],
                    deg_out.at[pl.ds(cid * _NP + sid * _SL, _SL)])


_sc_deg = pl.kernel(
    _sc_deg_body,
    out_type=jax.ShapeDtypeStruct((2 * _NP,), jnp.float32),
    mesh=plsc.VectorSubcoreMesh(core_axis_name="c", subcore_axis_name="s"),
    compiler_params=pltpu.CompilerParams(use_tc_tiling_on_sc=False),
    scratch_types=[
        pltpu.VMEM((3, _GED), jnp.int32),
        pltpu.VMEM((_GED,), jnp.float32),
        pltpu.VMEM((_SL,), jnp.float32),
        pltpu.VMEM_SHARED((_NP,), jnp.float32),
        pltpu.SemaphoreType.DMA((3,)),
        pltpu.SemaphoreType.DMA((2,)),
    ],
)


def _sc_edge_body(ef, hn, acc_out, idx, rows, acc_sh, gsem, ssem, isem):
    cid = lax.axis_index("c")
    sid = lax.axis_index("s")
    w = cid * 16 + sid

    def zrow(i, carry):
        rows[0, i, :] = jnp.zeros((16,), jnp.float32)
        return carry

    lax.fori_loop(0, _CK, zrow, 0)
    r0 = sid * _SL

    def zacc(k, carry):
        pltpu.sync_copy(rows.at[0, pl.ds(0, _CK)], acc_sh.at[pl.ds(r0 + k * _CK, _CK)])
        return carry

    lax.fori_loop(0, _ZF, zacc, 0)
    plsc.subcore_barrier()

    base = w * _QGE + jnp.minimum(w, _RGE)
    ng = _QGE + jnp.where(w < _RGE, 1, 0)

    def drain(sem, p):
        pltpu.make_async_copy(acc_out.at[0, pl.ds(0, _GEE)],
                              rows.at[p], sem.at[p]).wait()

    def drain_i(buf):
        for h in range(2):
            pltpu.make_async_copy(ef.at[pl.ds(0, _GEE)], idx.at[buf, h],
                                  isem.at[buf]).wait()

    def load_idx(g, buf):
        pltpu.async_copy(ef.at[pl.ds((base + g) * _GEE, _GEE)],
                         idx.at[buf, 0], isem.at[buf])
        pltpu.async_copy(ef.at[pl.ds(_E + (base + g) * _GEE, _GEE)],
                         idx.at[buf, 1], isem.at[buf])

    def gathers(ib, rb):
        pltpu.async_copy(hn.at[idx.at[ib, 0]], rows.at[rb], gsem.at[rb])

    def scatters(ib, rb):
        pltpu.async_copy(rows.at[rb], acc_sh.at[idx.at[ib, 1]],
                         ssem.at[rb], add=True)

    load_idx(0, 0)
    load_idx(1, 1)
    load_idx(2, 2)
    drain_i(0)
    gathers(0, 0)
    drain_i(1)
    gathers(1, 1)

    def body(g, carry):
        ib = lax.rem(g, 4)
        i2 = lax.rem(g + 2, 4)
        i3 = lax.rem(g + 3, 4)
        rb = lax.rem(g, 3)
        r2 = lax.rem(g + 2, 3)

        @pl.when(g + 2 < ng)
        def _prefetch():
            @pl.when(g >= 1)
            def _():
                drain(ssem, r2)

            @pl.when(g + 3 < ng)
            def _():
                load_idx(g + 3, i3)
            drain_i(i2)
            gathers(i2, r2)

        drain(gsem, rb)
        scatters(ib, rb)
        return carry

    lax.fori_loop(0, ng, body, 0)
    drain(ssem, 0)
    drain(ssem, 1)
    drain(ssem, 2)
    plsc.subcore_barrier()
    pltpu.sync_copy(acc_sh.at[pl.ds(r0, _SL)],
                    acc_out.at[cid, pl.ds(r0, _SL)])


_sc_edge = pl.kernel(
    _sc_edge_body,
    out_type=jax.ShapeDtypeStruct((2, _NP, _H), jnp.float32),
    mesh=plsc.VectorSubcoreMesh(core_axis_name="c", subcore_axis_name="s"),
    compiler_params=pltpu.CompilerParams(use_tc_tiling_on_sc=False),
    scratch_types=[
        pltpu.VMEM((4, 2, _GEE), jnp.int32),
        pltpu.VMEM((3, _GEE, _H), jnp.float32),
        pltpu.VMEM_SHARED((_NP, _H), jnp.float32),
        pltpu.SemaphoreType.DMA((3,)),
        pltpu.SemaphoreType.DMA((3,)),
        pltpu.SemaphoreType.DMA((4,)),
    ],
)

_RB = 2048
_GRID = _NP // _RB

_SQRT_HALF = 0.7071067811865476


def _gelu(t):
    return 0.5 * t * (1.0 + lax.erf(t * _SQRT_HALF))


def _tc_layer0_body(x_ref, w0_ref, b0_ref, g0_ref, bb0_ref, wg_ref, h1_ref, hp_ref):
    h = jnp.dot(x_ref[...], w0_ref[...], preferred_element_type=jnp.float32)
    h = h + b0_ref[...]
    m = jnp.mean(h, axis=1, keepdims=True)
    v = jnp.mean((h - m) ** 2, axis=1, keepdims=True)
    h = (h - m) / jnp.sqrt(v + 1e-5) * g0_ref[...] + bb0_ref[...]
    h1 = _gelu(h)
    h1_ref[...] = h1
    hp_ref[...] = jnp.dot(h1, wg_ref[...], preferred_element_type=jnp.float32)


_tc_layer0 = pl.pallas_call(
    _tc_layer0_body,
    grid=(_GRID,),
    in_specs=[
        pl.BlockSpec((_RB, 128), lambda i: (i, 0)),
        pl.BlockSpec((128, _H), lambda i: (0, 0)),
        pl.BlockSpec((1, _H), lambda i: (0, 0)),
        pl.BlockSpec((1, _H), lambda i: (0, 0)),
        pl.BlockSpec((1, _H), lambda i: (0, 0)),
        pl.BlockSpec((_H, _H), lambda i: (0, 0)),
    ],
    out_specs=[
        pl.BlockSpec((_RB, _H), lambda i: (i, 0)),
        pl.BlockSpec((_RB, _H), lambda i: (i, 0)),
    ],
    out_shape=[
        jax.ShapeDtypeStruct((_N, _H), jnp.float32),
        jax.ShapeDtypeStruct((_N, _H), jnp.float32),
    ],
)


def _dis_col(d):
    t = d[0, :] + d[1, :] + 1.0
    return lax.rsqrt(t).reshape(_RB, 1)


def _tc_hn_body(d_ref, hp_ref, hn_ref):
    hn_ref[...] = hp_ref[...] * _dis_col(d_ref[...])


_tc_hn = pl.pallas_call(
    _tc_hn_body,
    grid=(_GRID,),
    in_specs=[
        pl.BlockSpec((2, _RB), lambda i: (0, i)),
        pl.BlockSpec((_RB, _H), lambda i: (i, 0)),
    ],
    out_specs=pl.BlockSpec((_RB, _H), lambda i: (i, 0)),
    out_shape=jax.ShapeDtypeStruct((_N, _H), jnp.float32),
)


def _tc_final_body(acc_ref, d_ref, hn_ref, h1_ref, bg_ref, g1_ref,
                   b1_ref, w2_ref, b2_ref, out_ref):
    a = acc_ref[0] + acc_ref[1]
    dis = _dis_col(d_ref[...])
    z = (a + hn_ref[...]) * dis + bg_ref[...]
    m = jnp.mean(z, axis=1, keepdims=True)
    v = jnp.mean((z - m) ** 2, axis=1, keepdims=True)
    t = (z - m) / jnp.sqrt(v + 1e-5) * g1_ref[...] + b1_ref[...]
    t = _gelu(t)
    h = t + h1_ref[...]
    out_ref[...] = jnp.dot(h, w2_ref[...], preferred_element_type=jnp.float32) + b2_ref[...]


_tc_final = pl.pallas_call(
    _tc_final_body,
    grid=(_GRID,),
    in_specs=[
        pl.BlockSpec((2, _RB, _H), lambda i: (0, i, 0)),
        pl.BlockSpec((2, _RB), lambda i: (0, i)),
        pl.BlockSpec((_RB, _H), lambda i: (i, 0)),
        pl.BlockSpec((_RB, _H), lambda i: (i, 0)),
        pl.BlockSpec((1, _H), lambda i: (0, 0)),
        pl.BlockSpec((1, _H), lambda i: (0, 0)),
        pl.BlockSpec((1, _H), lambda i: (0, 0)),
        pl.BlockSpec((_H, 128), lambda i: (0, 0)),
        pl.BlockSpec((1, 128), lambda i: (0, 0)),
    ],
    out_specs=pl.BlockSpec((_RB, 128), lambda i: (i, 0)),
    out_shape=jax.ShapeDtypeStruct((_N, 128), jnp.float32),
)


def kernel(x, edge_index, W0, b0, ln0_g, ln0_b, Wg, bg, ln1_g, ln1_b, W2, b2):
    ef = edge_index.reshape(2 * _E)
    deg = _sc_deg(ef)
    h1, hp = _tc_layer0(x, W0, b0.reshape(1, _H), ln0_g.reshape(1, _H),
                        ln0_b.reshape(1, _H), Wg)
    deg2 = deg.reshape(2, _NP)
    hn = _tc_hn(deg2, hp)
    acc = _sc_edge(ef, hn)
    out = _tc_final(acc, deg2, hn, h1, bg.reshape(1, _H),
                    ln1_g.reshape(1, _H), ln1_b.reshape(1, _H),
                    W2, b2.reshape(1, 128))
    return out

# --- scband reference (transcript-rebuilt; emitter-appended) ---
"""Pipeline reference for scband-gcn-lr-84954453115000 (READ-ONLY COPY).

The authoritative reference and input builder live on the scoring server;
editing this copy changes nothing except your own understanding.
"""

import jax, jax.numpy as jnp
import numpy as np

N = 100000
E = 3200000
D_IN = 128
H = 16
D_OUT = 128


def layer_norm(x, g, b, eps=1e-5):
    m = jnp.mean(x, axis=-1, keepdims=True)
    v = jnp.mean((x - m) ** 2, axis=-1, keepdims=True)
    return (x - m) / jnp.sqrt(v + eps) * g + b


def gcn_conv(x, edge_index, W, b):
    # PyG-style GCNConv: linear transform, add self-loops, symmetric normalization, scatter-add
    n = x.shape[0]
    src = edge_index[0]
    dst = edge_index[1]
    loop = jnp.arange(n, dtype=edge_index.dtype)
    src = jnp.concatenate([src, loop])
    dst = jnp.concatenate([dst, loop])
    h = x @ W
    deg = jnp.zeros((n,), dtype=x.dtype).at[dst].add(1.0)
    dis = jnp.where(deg > 0, 1.0 / jnp.sqrt(deg), 0.0)
    norm = dis[src] * dis[dst]
    msg = h[src] * norm[:, None]
    out = jnp.zeros_like(h).at[dst].add(msg)
    return out + b


def setup_inputs(seed: int = 0):
    key = jax.random.key(seed)
    ks = jax.random.split(key, 6)
    x = jax.random.normal(ks[0], (N, D_IN), dtype=jnp.float32)
    edge_index = jax.random.randint(ks[1], (2, E), 0, N, dtype=jnp.int32)
    W0 = jax.random.normal(ks[2], (D_IN, H), dtype=jnp.float32) * (1.0 / np.sqrt(D_IN))
    b0 = jnp.zeros((H,), dtype=jnp.float32)
    ln0_g = jnp.ones((H,), dtype=jnp.float32)
    ln0_b = jnp.zeros((H,), dtype=jnp.float32)
    Wg = jax.random.normal(ks[3], (H, H), dtype=jnp.float32) * (1.0 / np.sqrt(H))
    bg = jnp.zeros((H,), dtype=jnp.float32)
    ln1_g = jnp.ones((H,), dtype=jnp.float32)
    ln1_b = jnp.zeros((H,), dtype=jnp.float32)
    W2 = jax.random.normal(ks[4], (H, D_OUT), dtype=jnp.float32) * (1.0 / np.sqrt(H))
    b2 = jnp.zeros((D_OUT,), dtype=jnp.float32)
    return {"x": x, "edge_index": edge_index, "W0": W0, "b0": b0, "ln0_g": ln0_g, "ln0_b": ln0_b, "Wg": Wg, "bg": bg, "ln1_g": ln1_g, "ln1_b": ln1_b, "W2": W2, "b2": b2}


def reference(x, edge_index, W0, b0, ln0_g, ln0_b, Wg, bg, ln1_g, ln1_b, W2, b2):
    # layer 0: Linear -> LN -> GELU (dropout is identity in eval)
    h = x @ W0 + b0
    h = layer_norm(h, ln0_g, ln0_b)
    h = jax.nn.gelu(h, approximate=False)
    # layer 1: GCNConv -> LN -> GELU + residual
    h_in = h
    h2 = gcn_conv(h, edge_index, Wg, bg)
    h2 = layer_norm(h2, ln1_g, ln1_b)
    h2 = jax.nn.gelu(h2, approximate=False)
    h = h2 + h_in
    # final Linear
    return h @ W2 + b2

if __name__ == "__main__":
    import jax
    _d = setup_inputs()
    print(jax.jit(kernel)(*tuple(_d.values())))

</pallas_src>

<mosaic_0001>
#map = affine_map<(d0, d1) -> (0)>
#map1 = affine_map<(d0, d1) -> (0, 0)>
#map2 = affine_map<(d0, d1) -> (0, 0, 0)>
module attributes {stable_mosaic.version = 14 : i64} {
  func.func @_sc_edge_body(%arg0: i32, %arg1: i32, %arg2: memref<6400000xi32, #tpu.memory_space<hbm>>, %arg3: memref<100000x16xf32, #tpu.memory_space<hbm>>, %arg4: memref<2x100352x16xf32, #tpu.memory_space<hbm>>, %arg5: memref<4x2x512xi32, #tpu.memory_space<vmem>>, %arg6: memref<3x512x16xf32, #tpu.memory_space<vmem>>, %arg7: memref<100352x16xf32, #tpu.memory_space<vmem_shared>>, %arg8: memref<3x!tpu.dma_semaphore, #tpu.memory_space<semaphore_mem>>, %arg9: memref<3x!tpu.dma_semaphore, #tpu.memory_space<semaphore_mem>>, %arg10: memref<4x!tpu.dma_semaphore, #tpu.memory_space<semaphore_mem>>) attributes {dimension_semantics = [#tpu.dimension_semantics<core_parallel>, #tpu.dimension_semantics<subcore_parallel>], iteration_bounds = array<i64: 2, 16>, scalar_prefetch = 0 : i64, scratch_operands = 6 : i64, tpu.core_type = #tpu.core_type<sc_vector_subcore>, window_params = [{transform_indices = #map}, {transform_indices = #map1}, {transform_indices = #map2}]} {
    %mul3A = arith.constant 16 : i32
    %mul3A_0 = arith.muli %arg0, %mul3A : i32
    %add3A = arith.addi %mul3A_0, %arg1 : i32
    %scan3A = arith.constant 0 : i32
    %scan3A_1 = arith.constant 0 : i32
    %scan3A_2 = arith.constant 128 : i32
    %scan3A_3 = arith.addi %scan3A_1, %scan3A_2 : i32
    %scan3A_4 = arith.constant 1 : i32
    scf.for %scan3A_293 = %scan3A_1 to %scan3A_3 step %scan3A_4  : i32 {
      %broadcast_in_dim3A = arith.constant 0.000000e+00 : f32
      %broadcast_in_dim3A_294 = vector.broadcast %broadcast_in_dim3A : f32 to vector<16xf32>
      %swap3A = arith.constant 0 : i32
      %swap3A_295 = arith.index_cast %swap3A : i32 to index
      %swap3A_296 = arith.index_cast %scan3A_293 : i32 to index
      %swap3A_297 = arith.constant 0 : index
      %swap3A_298 = tpu.vector_load %arg6[%swap3A_295, %swap3A_296, %swap3A_297] {strides = array<i32>} : memref<3x512x16xf32, #tpu.memory_space<vmem>>, vector<1x1x16xf32>,
      %swap3A_299 = vector.shape_cast %swap3A_298 : vector<1x1x16xf32> to vector<16xf32>
      %swap3A_300 = vector.shape_cast %broadcast_in_dim3A_294 : vector<16xf32> to vector<1x1x16xf32>
      tpu.vector_store %arg6[%swap3A_295, %swap3A_296, %swap3A_297], %swap3A_300 {strides = array<i32>} : memref<3x512x16xf32, #tpu.memory_space<vmem>>, vector<1x1x16xf32>,
    }
    %scan3A_5 = arith.constant 128 : i32
    %mul3A_6 = arith.constant 6272 : i32
    %mul3A_7 = arith.muli %arg1, %mul3A_6 : i32
    %scan3A_8 = arith.constant 0 : i32
    %scan3A_9 = arith.constant 0 : i32
    %scan3A_10 = arith.constant 49 : i32
    %scan3A_11 = arith.addi %scan3A_9, %scan3A_10 : i32
    %scan3A_12 = arith.constant 1 : i32
    scf.for %scan3A_293 = %scan3A_9 to %scan3A_11 step %scan3A_12  : i32 {
      %mul3A_294 = arith.constant 128 : i32
      %mul3A_295 = arith.muli %scan3A_293, %mul3A_294 : i32
      %add3A_296 = arith.addi %mul3A_7, %mul3A_295 : i32
      %run_scoped3A = arith.constant 0 : i32
      "tpu.region"() ({
        %run_scoped3A_297 = tpu.sem_alloc : memref<!tpu.dma_semaphore, #tpu.memory_space<semaphore_mem>>
        %dma_start3A_298 = arith.constant 0 : i32
        %dma_start3A_299 = arith.constant 0 : i32
        %dma_start3A_300 = tpu.memref_slice %arg6[%run_scoped3A, %dma_start3A_298, %dma_start3A_299] : memref<3x512x16xf32, #tpu.memory_space<vmem>> -> memref<1x128x16xf32, #tpu.memory_space<vmem>>
        %dma_start3A_301 = tpu.memref_squeeze %dma_start3A_300 : memref<1x128x16xf32, #tpu.memory_space<vmem>> -> memref<128x16xf32, #tpu.memory_space<vmem>>
        %dma_start3A_302 = arith.constant 0 : i32
        %dma_start3A_303 = tpu.memref_slice %arg7[%add3A_296, %dma_start3A_302] : memref<100352x16xf32, #tpu.memory_space<vmem_shared>> -> memref<128x16xf32, #tpu.memory_space<vmem_shared>>
        %dma_start3A_304 = arith.constant 0 : i32
        %dma_start3A_305 = tpu.memref_slice %arg7[%add3A_296, %dma_start3A_304] : memref<100352x16xf32, #tpu.memory_space<vmem_shared>> -> memref<128x16xf32, #tpu.memory_space<vmem_shared>>
        %dma_start3A_306 = arith.constant 0 : i32
        %dma_start3A_307 = arith.constant 0 : i32
        %dma_start3A_308 = tpu.memref_slice %arg6[%run_scoped3A, %dma_start3A_306, %dma_start3A_307] : memref<3x512x16xf32, #tpu.memory_space<vmem>> -> memref<1x128x16xf32, #tpu.memory_space<vmem>>
        %dma_start3A_309 = tpu.memref_squeeze %dma_start3A_308 : memref<1x128x16xf32, #tpu.memory_space<vmem>> -> memref<128x16xf32, #tpu.memory_space<vmem>>
        tpu.enqueue_dma source(%dma_start3A_309 : memref<128x16xf32, #tpu.memory_space<vmem>>) target(%dma_start3A_305 : memref<128x16xf32, #tpu.memory_space<vmem_shared>>) target_semaphore(%run_scoped3A_297 : memref<!tpu.dma_semaphore, #tpu.memory_space<semaphore_mem>>)
        %dma_wait3A_310 = arith.constant 0 : i32
        %dma_wait3A_311 = arith.constant 0 : i32
        %dma_wait3A_312 = tpu.memref_slice %arg6[%run_scoped3A, %dma_wait3A_310, %dma_wait3A_311] : memref<3x512x16xf32, #tpu.memory_space<vmem>> -> memref<1x128x16xf32, #tpu.memory_space<vmem>>
        %dma_wait3A_313 = tpu.memref_squeeze %dma_wait3A_312 : memref<1x128x16xf32, #tpu.memory_space<vmem>> -> memref<128x16xf32, #tpu.memory_space<vmem>>
        %dma_wait3A_314 = arith.constant 0 : i32
        %dma_wait3A_315 = tpu.memref_slice %arg7[%add3A_296, %dma_wait3A_314] : memref<100352x16xf32, #tpu.memory_space<vmem_shared>> -> memref<128x16xf32, #tpu.memory_space<vmem_shared>>
        %dma_wait3A_316 = arith.constant 0 : i32
        %dma_wait3A_317 = tpu.memref_slice %arg7[%add3A_296, %dma_wait3A_316] : memref<100352x16xf32, #tpu.memory_space<vmem_shared>> -> memref<128x16xf32, #tpu.memory_space<vmem_shared>>
        %dma_wait3A_318 = arith.constant 0 : i32
        %dma_wait3A_319 = arith.constant 0 : i32
        %dma_wait3A_320 = tpu.memref_slice %arg6[%run_scoped3A, %dma_wait3A_318, %dma_wait3A_319] : memref<3x512x16xf32, #tpu.memory_space<vmem>> -> memref<1x128x16xf32, #tpu.memory_space<vmem>>
        %dma_wait3A_321 = tpu.memref_squeeze %dma_wait3A_320 : memref<1x128x16xf32, #tpu.memory_space<vmem>> -> memref<128x16xf32, #tpu.memory_space<vmem>>
        tpu.wait_dma2 semaphore(%run_scoped3A_297 : memref<!tpu.dma_semaphore, #tpu.memory_space<semaphore_mem>>) src(%dma_wait3A_321 : memref<128x16xf32, #tpu.memory_space<vmem>>) dst(%dma_wait3A_317 : memref<128x16xf32, #tpu.memory_space<vmem_shared>>)
        tpu.yield
      }) : () -> ()
    }
    %scan3A_13 = arith.constant 49 : i32
    %barrier3A = arith.constant 0 : index
    tpu.barrier barrier_id(%barrier3A)
    %mul3A_14 = arith.constant 195 : i32
    %mul3A_15 = arith.muli %add3A, %mul3A_14 : i32
    %min3A = arith.constant 10 : i32
    %min3A_16 = arith.minsi %add3A, %min3A : i32
    %add3A_17 = arith.addi %mul3A_15, %min3A_16 : i32
    %lt3A = arith.constant 10 : i32
    %lt3A_18 = arith.cmpi slt, %add3A, %lt3A : i32
    %jit3A = arith.constant 1 : i32
    %jit3A_19 = arith.constant 0 : i32
    %select_n3A = arith.select %lt3A_18, %jit3A, %jit3A_19 : i32
    %add3A_20 = arith.constant 195 : i32
    %add3A_21 = arith.addi %add3A_20, %select_n3A : i32
    %add3A_22 = arith.constant 0 : i32
    %add3A_23 = arith.addi %add3A_17, %add3A_22 : i32
    %mul3A_24 = arith.constant 512 : i32
    %mul3A_25 = arith.muli %add3A_23, %mul3A_24 : i32
    %dma_start3A = arith.constant 0 : i32
    %dma_start3A_26 = arith.constant 0 : i32
    %dma_start3A_27 = arith.constant 0 : i32
    %dma_start3A_28 = arith.constant 0 : i32
    %dma_start3A_29 = tpu.memref_slice %arg5[%dma_start3A, %dma_start3A_26, %dma_start3A_28] : memref<4x2x512xi32, #tpu.memory_space<vmem>> -> memref<1x1x512xi32, #tpu.memory_space<vmem>>
    %dma_start3A_30 = tpu.memref_squeeze %dma_start3A_29 : memref<1x1x512xi32, #tpu.memory_space<vmem>> -> memref<512xi32, #tpu.memory_space<vmem>>
    %dma_start3A_31 = tpu.memref_slice %arg2[%mul3A_25] : memref<6400000xi32, #tpu.memory_space<hbm>> -> memref<512xi32, #tpu.memory_space<hbm>>
    %dma_start3A_32 = tpu.memref_slice %arg10[%dma_start3A_27] : memref<4x!tpu.dma_semaphore, #tpu.memory_space<semaphore_mem>> -> memref<1x!tpu.dma_semaphore, #tpu.memory_space<semaphore_mem>>
    %dma_start3A_33 = tpu.memref_squeeze %dma_start3A_32 : memref<1x!tpu.dma_semaphore, #tpu.memory_space<semaphore_mem>> -> memref<!tpu.dma_semaphore, #tpu.memory_space<semaphore_mem>>
    %dma_start3A_34 = arith.constant 0 : i32
    %dma_start3A_35 = tpu.memref_slice %arg5[%dma_start3A, %dma_start3A_26, %dma_start3A_34] : memref<4x2x512xi32, #tpu.memory_space<vmem>> -> memref<1x1x512xi32, #tpu.memory_space<vmem>>
    %dma_start3A_36 = tpu.memref_squeeze %dma_start3A_35 : memref<1x1x512xi32, #tpu.memory_space<vmem>> -> memref<512xi32, #tpu.memory_space<vmem>>
    %dma_start3A_37 = tpu.memref_slice %arg2[%mul3A_25] : memref<6400000xi32, #tpu.memory_space<hbm>> -> memref<512xi32, #tpu.memory_space<hbm>>
    tpu.enqueue_dma source(%dma_start3A_37 : memref<512xi32, #tpu.memory_space<hbm>>) target(%dma_start3A_36 : memref<512xi32, #tpu.memory_space<vmem>>) target_semaphore(%dma_start3A_33 : memref<!tpu.dma_semaphore, #tpu.memory_space<semaphore_mem>>)
    %add3A_38 = arith.constant 0 : i32
    %add3A_39 = arith.addi %add3A_17, %add3A_38 : i32
    %mul3A_40 = arith.constant 512 : i32
    %mul3A_41 = arith.muli %add3A_39, %mul3A_40 : i32
    %add3A_42 = arith.constant 3200000 : i32
    %add3A_43 = arith.addi %add3A_42, %mul3A_41 : i32
    %dma_start3A_44 = arith.constant 0 : i32
    %dma_start3A_45 = arith.constant 1 : i32
    %dma_start3A_46 = arith.constant 0 : i32
    %dma_start3A_47 = arith.constant 0 : i32
    %dma_start3A_48 = tpu.memref_slice %arg5[%dma_start3A_44, %dma_start3A_45, %dma_start3A_47] : memref<4x2x512xi32, #tpu.memory_space<vmem>> -> memref<1x1x512xi32, #tpu.memory_space<vmem>>
    %dma_start3A_49 = tpu.memref_squeeze %dma_start3A_48 : memref<1x1x512xi32, #tpu.memory_space<vmem>> -> memref<512xi32, #tpu.memory_space<vmem>>
    %dma_start3A_50 = tpu.memref_slice %arg2[%add3A_43] : memref<6400000xi32, #tpu.memory_space<hbm>> -> memref<512xi32, #tpu.memory_space<hbm>>
    %dma_start3A_51 = tpu.memref_slice %arg10[%dma_start3A_46] : memref<4x!tpu.dma_semaphore, #tpu.memory_space<semaphore_mem>> -> memref<1x!tpu.dma_semaphore, #tpu.memory_space<semaphore_mem>>
    %dma_start3A_52 = tpu.memref_squeeze %dma_start3A_51 : memref<1x!tpu.dma_semaphore, #tpu.memory_space<semaphore_mem>> -> memref<!tpu.dma_semaphore, #tpu.memory_space<semaphore_mem>>
    %dma_start3A_53 = arith.constant 0 : i32
    %dma_start3A_54 = tpu.memref_slice %arg5[%dma_start3A_44, %dma_start3A_45, %dma_start3A_53] : memref<4x2x512xi32, #tpu.memory_space<vmem>> -> memref<1x1x512xi32, #tpu.memory_space<vmem>>
    %dma_start3A_55 = tpu.memref_squeeze %dma_start3A_54 : memref<1x1x512xi32, #tpu.memory_space<vmem>> -> memref<512xi32, #tpu.memory_space<vmem>>
    %dma_start3A_56 = tpu.memref_slice %arg2[%add3A_43] : memref<6400000xi32, #tpu.memory_space<hbm>> -> memref<512xi32, #tpu.memory_space<hbm>>
    tpu.enqueue_dma source(%dma_start3A_56 : memref<512xi32, #tpu.memory_space<hbm>>) target(%dma_start3A_55 : memref<512xi32, #tpu.memory_space<vmem>>) target_semaphore(%dma_start3A_52 : memref<!tpu.dma_semaphore, #tpu.memory_space<semaphore_mem>>)
    %add3A_57 = arith.constant 1 : i32
    %add3A_58 = arith.addi %add3A_17, %add3A_57 : i32
    %mul3A_59 = arith.constant 512 : i32
    %mul3A_60 = arith.muli %add3A_58, %mul3A_59 : i32
    %dma_start3A_61 = arith.constant 1 : i32
    %dma_start3A_62 = arith.constant 0 : i32
    %dma_start3A_63 = arith.constant 1 : i32
    %dma_start3A_64 = arith.constant 0 : i32
    %dma_start3A_65 = tpu.memref_slice %arg5[%dma_start3A_61, %dma_start3A_62, %dma_start3A_64] : memref<4x2x512xi32, #tpu.memory_space<vmem>> -> memref<1x1x512xi32, #tpu.memory_space<vmem>>
    %dma_start3A_66 = tpu.memref_squeeze %dma_start3A_65 : memref<1x1x512xi32, #tpu.memory_space<vmem>> -> memref<512xi32, #tpu.memory_space<vmem>>
    %dma_start3A_67 = tpu.memref_slice %arg2[%mul3A_60] : memref<6400000xi32, #tpu.memory_space<hbm>> -> memref<512xi32, #tpu.memory_space<hbm>>
    %dma_start3A_68 = tpu.memref_slice %arg10[%dma_start3A_63] : memref<4x!tpu.dma_semaphore, #tpu.memory_space<semaphore_mem>> -> memref<1x!tpu.dma_semaphore, #tpu.memory_space<semaphore_mem>>
    %dma_start3A_69 = tpu.memref_squeeze %dma_start3A_68 : memref<1x!tpu.dma_semaphore, #tpu.memory_space<semaphore_mem>> -> memref<!tpu.dma_semaphore, #tpu.memory_space<semaphore_mem>>
    %dma_start3A_70 = arith.constant 0 : i32
    %dma_start3A_71 = tpu.memref_slice %arg5[%dma_start3A_61, %dma_start3A_62, %dma_start3A_70] : memref<4x2x512xi32, #tpu.memory_space<vmem>> -> memref<1x1x512xi32, #tpu.memory_space<vmem>>
    %dma_start3A_72 = tpu.memref_squeeze %dma_start3A_71 : memref<1x1x512xi32, #tpu.memory_space<vmem>> -> memref<512xi32, #tpu.memory_space<vmem>>
    %dma_start3A_73 = tpu.memref_slice %arg2[%mul3A_60] : memref<6400000xi32, #tpu.memory_space<hbm>> -> memref<512xi32, #tpu.memory_space<hbm>>
    tpu.enqueue_dma source(%dma_start3A_73 : memref<512xi32, #tpu.memory_space<hbm>>) target(%dma_start3A_72 : memref<512xi32, #tpu.memory_space<vmem>>) target_semaphore(%dma_start3A_69 : memref<!tpu.dma_semaphore, #tpu.memory_space<semaphore_mem>>)
    %add3A_74 = arith.constant 1 : i32
    %add3A_75 = arith.addi %add3A_17, %add3A_74 : i32
    %mul3A_76 = arith.constant 512 : i32
    %mul3A_77 = arith.muli %add3A_75, %mul3A_76 : i32
    %add3A_78 = arith.constant 3200000 : i32
    %add3A_79 = arith.addi %add3A_78, %mul3A_77 : i32
    %dma_start3A_80 = arith.constant 1 : i32
    %dma_start3A_81 = arith.constant 1 : i32
    %dma_start3A_82 = arith.constant 1 : i32
    %dma_start3A_83 = arith.constant 0 : i32
    %dma_start3A_84 = tpu.memref_slice %arg5[%dma_start3A_80, %dma_start3A_81, %dma_start3A_83] : memref<4x2x512xi32, #tpu.memory_space<vmem>> -> memref<1x1x512xi32, #tpu.memory_space<vmem>>
    %dma_start3A_85 = tpu.memref_squeeze %dma_start3A_84 : memref<1x1x512xi32, #tpu.memory_space<vmem>> -> memref<512xi32, #tpu.memory_space<vmem>>
    %dma_start3A_86 = tpu.memref_slice %arg2[%add3A_79] : memref<6400000xi32, #tpu.memory_space<hbm>> -> memref<512xi32, #tpu.memory_space<hbm>>
    %dma_start3A_87 = tpu.memref_slice %arg10[%dma_start3A_82] : memref<4x!tpu.dma_semaphore, #tpu.memory_space<semaphore_mem>> -> memref<1x!tpu.dma_semaphore, #tpu.memory_space<semaphore_mem>>
    %dma_start3A_88 = tpu.memref_squeeze %dma_start3A_87 : memref<1x!tpu.dma_semaphore, #tpu.memory_space<semaphore_mem>> -> memref<!tpu.dma_semaphore, #tpu.memory_space<semaphore_mem>>
    %dma_start3A_89 = arith.constant 0 : i32
    %dma_start3A_90 = tpu.memref_slice %arg5[%dma_start3A_80, %dma_start3A_81, %dma_start3A_89] : memref<4x2x512xi32, #tpu.memory_space<vmem>> -> memref<1x1x512xi32, #tpu.memory_space<vmem>>
    %dma_start3A_91 = tpu.memref_squeeze %dma_start3A_90 : memref<1x1x512xi32, #tpu.memory_space<vmem>> -> memref<512xi32, #tpu.memory_space<vmem>>
    %dma_start3A_92 = tpu.memref_slice %arg2[%add3A_79] : memref<6400000xi32, #tpu.memory_space<hbm>> -> memref<512xi32, #tpu.memory_space<hbm>>
    tpu.enqueue_dma source(%dma_start3A_92 : memref<512xi32, #tpu.memory_space<hbm>>) target(%dma_start3A_91 : memref<512xi32, #tpu.memory_space<vmem>>) target_semaphore(%dma_start3A_88 : memref<!tpu.dma_semaphore, #tpu.memory_space<semaphore_mem>>)
    %add3A_93 = arith.constant 2 : i32
    %add3A_94 = arith.addi %add3A_17, %add3A_93 : i32
    %mul3A_95 = arith.constant 512 : i32
    %mul3A_96 = arith.muli %add3A_94, %mul3A_95 : i32
    %dma_start3A_97 = arith.constant 2 : i32
    %dma_start3A_98 = arith.constant 0 : i32
    %dma_start3A_99 = arith.constant 2 : i32
    %dma_start3A_100 = arith.constant 0 : i32
    %dma_start3A_101 = tpu.memref_slice %arg5[%dma_start3A_97, %dma_start3A_98, %dma_start3A_100] : memref<4x2x512xi32, #tpu.memory_space<vmem>> -> memref<1x1x512xi32, #tpu.memory_space<vmem>>
    %dma_start3A_102 = tpu.memref_squeeze %dma_start3A_101 : memref<1x1x512xi32, #tpu.memory_space<vmem>> -> memref<512xi32, #tpu.memory_space<vmem>>
    %dma_start3A_103 = tpu.memref_slice %arg2[%mul3A_96] : memref<6400000xi32, #tpu.memory_space<hbm>> -> memref<512xi32, #tpu.memory_space<hbm>>
    %dma_start3A_104 = tpu.memref_slice %arg10[%dma_start3A_99] : memref<4x!tpu.dma_semaphore, #tpu.memory_space<semaphore_mem>> -> memref<1x!tpu.dma_semaphore, #tpu.memory_space<semaphore_mem>>
    %dma_start3A_105 = tpu.memref_squeeze %dma_start3A_104 : memref<1x!tpu.dma_semaphore, #tpu.memory_space<semaphore_mem>> -> memref<!tpu.dma_semaphore, #tpu.memory_space<semaphore_mem>>
    %dma_start3A_106 = arith.constant 0 : i32
    %dma_start3A_107 = tpu.memref_slice %arg5[%dma_start3A_97, %dma_start3A_98, %dma_start3A_106] : memref<4x2x512xi32, #tpu.memory_space<vmem>> -> memref<1x1x512xi32, #tpu.memory_space<vmem>>
    %dma_start3A_108 = tpu.memref_squeeze %dma_start3A_107 : memref<1x1x512xi32, #tpu.memory_space<vmem>> -> memref<512xi32, #tpu.memory_space<vmem>>
    %dma_start3A_109 = tpu.memref_slice %arg2[%mul3A_96] : memref<6400000xi32, #tpu.memory_space<hbm>> -> memref<512xi32, #tpu.memory_space<hbm>>
    tpu.enqueue_dma source(%dma_start3A_109 : memref<512xi32, #tpu.memory_space<hbm>>) target(%dma_start3A_108 : memref<512xi32, #tpu.memory_space<vmem>>) target_semaphore(%dma_start3A_105 : memref<!tpu.dma_semaphore, #tpu.memory_space<semaphore_mem>>)
    %add3A_110 = arith.constant 2 : i32
    %add3A_111 = arith.addi %add3A_17, %add3A_110 : i32
    %mul3A_112 = arith.constant 512 : i32
    %mul3A_113 = arith.muli %add3A_111, %mul3A_112 : i32
    %add3A_114 = arith.constant 3200000 : i32
    %add3A_115 = arith.addi %add3A_114, %mul3A_113 : i32
    %dma_start3A_116 = arith.constant 2 : i32
    %dma_start3A_117 = arith.constant 1 : i32
    %dma_start3A_118 = arith.constant 2 : i32
    %dma_start3A_119 = arith.constant 0 : i32
    %dma_start3A_120 = tpu.memref_slice %arg5[%dma_start3A_116, %dma_start3A_117, %dma_start3A_119] : memref<4x2x512xi32, #tpu.memory_space<vmem>> -> memref<1x1x512xi32, #tpu.memory_space<vmem>>
    %dma_start3A_121 = tpu.memref_squeeze %dma_start3A_120 : memref<1x1x512xi32, #tpu.memory_space<vmem>> -> memref<512xi32, #tpu.memory_space<vmem>>
    %dma_start3A_122 = tpu.memref_slice %arg2[%add3A_115] : memref<6400000xi32, #tpu.memory_space<hbm>> -> memref<512xi32, #tpu.memory_space<hbm>>
    %dma_start3A_123 = tpu.memref_slice %arg10[%dma_start3A_118] : memref<4x!tpu.dma_semaphore, #tpu.memory_space<semaphore_mem>> -> memref<1x!tpu.dma_semaphore, #tpu.memory_space<semaphore_mem>>
    %dma_start3A_124 = tpu.memref_squeeze %dma_start3A_123 : memref<1x!tpu.dma_semaphore, #tpu.memory_space<semaphore_mem>> -> memref<!tpu.dma_semaphore, #tpu.memory_space<semaphore_mem>>
    %dma_start3A_125 = arith.constant 0 : i32
    %dma_start3A_126 = tpu.memref_slice %arg5[%dma_start3A_116, %dma_start3A_117, %dma_start3A_125] : memref<4x2x512xi32, #tpu.memory_space<vmem>> -> memref<1x1x512xi32, #tpu.memory_space<vmem>>
    %dma_start3A_127 = tpu.memref_squeeze %dma_start3A_126 : memref<1x1x512xi32, #tpu.memory_space<vmem>> -> memref<512xi32, #tpu.memory_space<vmem>>
    %dma_start3A_128 = tpu.memref_slice %arg2[%add3A_115] : memref<6400000xi32, #tpu.memory_space<hbm>> -> memref<512xi32, #tpu.memory_space<hbm>>
    tpu.enqueue_dma source(%dma_start3A_128 : memref<512xi32, #tpu.memory_space<hbm>>) target(%dma_start3A_127 : memref<512xi32, #tpu.memory_space<vmem>>) target_semaphore(%dma_start3A_124 : memref<!tpu.dma_semaphore, #tpu.memory_space<semaphore_mem>>)
    %dma_wait3A = arith.constant 0 : i32
    %dma_wait3A_129 = arith.constant 0 : i32
    %dma_wait3A_130 = arith.constant 0 : i32
    %dma_wait3A_131 = arith.constant 0 : i32
    %dma_wait3A_132 = tpu.memref_slice %arg5[%dma_wait3A, %dma_wait3A_129, %dma_wait3A_131] : memref<4x2x512xi32, #tpu.memory_space<vmem>> -> memref<1x1x512xi32, #tpu.memory_space<vmem>>
    %dma_wait3A_133 = tpu.memref_squeeze %dma_wait3A_132 : memref<1x1x512xi32, #tpu.memory_space<vmem>> -> memref<512xi32, #tpu.memory_space<vmem>>
    %dma_wait3A_134 = arith.constant 0 : i32
    %dma_wait3A_135 = tpu.memref_slice %arg2[%dma_wait3A_134] : memref<6400000xi32, #tpu.memory_space<hbm>> -> memref<512xi32, #tpu.memory_space<hbm>>
    %dma_wait3A_136 = tpu.memref_slice %arg10[%dma_wait3A_130] : memref<4x!tpu.dma_semaphore, #tpu.memory_space<semaphore_mem>> -> memref<1x!tpu.dma_semaphore, #tpu.memory_space<semaphore_mem>>
    %dma_wait3A_137 = tpu.memref_squeeze %dma_wait3A_136 : memref<1x!tpu.dma_semaphore, #tpu.memory_space<semaphore_mem>> -> memref<!tpu.dma_semaphore, #tpu.memory_space<semaphore_mem>>
    %dma_wait3A_138 = arith.constant 0 : i32
    %dma_wait3A_139 = tpu.memref_slice %arg5[%dma_wait3A, %dma_wait3A_129, %dma_wait3A_138] : memref<4x2x512xi32, #tpu.memory_space<vmem>> -> memref<1x1x512xi32, #tpu.memory_space<vmem>>
    %dma_wait3A_140 = tpu.memref_squeeze %dma_wait3A_139 : memref<1x1x512xi32, #tpu.memory_space<vmem>> -> memref<512xi32, #tpu.memory_space<vmem>>
    %dma_wait3A_141 = arith.constant 0 : i32
    %dma_wait3A_142 = tpu.memref_slice %arg2[%dma_wait3A_141] : memref<6400000xi32, #tpu.memory_space<hbm>> -> memref<512xi32, #tpu.memory_space<hbm>>
    tpu.wait_dma2 semaphore(%dma_wait3A_137 : memref<!tpu.dma_semaphore, #tpu.memory_space<semaphore_mem>>) src(%dma_wait3A_142 : memref<512xi32, #tpu.memory_space<hbm>>) dst(%dma_wait3A_140 : memref<512xi32, #tpu.memory_space<vmem>>)
    %dma_wait3A_143 = arith.constant 0 : i32
    %dma_wait3A_144 = arith.constant 1 : i32
    %dma_wait3A_145 = arith.constant 0 : i32
    %dma_wait3A_146 = arith.constant 0 : i32
    %dma_wait3A_147 = tpu.memref_slice %arg5[%dma_wait3A_143, %dma_wait3A_144, %dma_wait3A_146] : memref<4x2x512xi32, #tpu.memory_space<vmem>> -> memref<1x1x512xi32, #tpu.memory_space<vmem>>
    %dma_wait3A_148 = tpu.memref_squeeze %dma_wait3A_147 : memref<1x1x512xi32, #tpu.memory_space<vmem>> -> memref<512xi32, #tpu.memory_space<vmem>>
    %dma_wait3A_149 = arith.constant 0 : i32
    %dma_wait3A_150 = tpu.memref_slice %arg2[%dma_wait3A_149] : memref<6400000xi32, #tpu.memory_space<hbm>> -> memref<512xi32, #tpu.memory_space<hbm>>
    %dma_wait3A_151 = tpu.memref_slice %arg10[%dma_wait3A_145] : memref<4x!tpu.dma_semaphore, #tpu.memory_space<semaphore_mem>> -> memref<1x!tpu.dma_semaphore, #tpu.memory_space<semaphore_mem>>
    %dma_wait3A_152 = tpu.memref_squeeze %dma_wait3A_151 : memref<1x!tpu.dma_semaphore, #tpu.memory_space<semaphore_mem>> -> memref<!tpu.dma_semaphore, #tpu.memory_space<semaphore_mem>>
    %dma_wait3A_153 = arith.constant 0 : i32
    %dma_wait3A_154 = tpu.memref_slice %arg5[%dma_wait3A_143, %dma_wait3A_144, %dma_wait3A_153] : memref<4x2x512xi32, #tpu.memory_space<vmem>> -> memref<1x1x512xi32, #tpu.memory_space<vmem>>
    %dma_wait3A_155 = tpu.memref_squeeze %dma_wait3A_154 : memref<1x1x512xi32, #tpu.memory_space<vmem>> -> memref<512xi32, #tpu.memory_space<vmem>>
    %dma_wait3A_156 = arith.constant 0 : i32
    %dma_wait3A_157 = tpu.memref_slice %arg2[%dma_wait3A_156] : memref<6400000xi32, #tpu.memory_space<hbm>> -> memref<512xi32, #tpu.memory_space<hbm>>
    tpu.wait_dma2 semaphore(%dma_wait3A_152 : memref<!tpu.dma_semaphore, #tpu.memory_space<semaphore_mem>>) src(%dma_wait3A_157 : memref<512xi32, #tpu.memory_space<hbm>>) dst(%dma_wait3A_155 : memref<512xi32, #tpu.memory_space<vmem>>)
    %dma_start3A_158 = arith.constant 0 : i32
    %dma_start3A_159 = arith.constant 0 : i32
    %dma_start3A_160 = arith.constant 0 : i32
    %dma_start3A_161 = arith.constant 0 : i32
    %dma_start3A_162 = arith.constant 0 : i32
    %dma_start3A_163 = arith.constant 0 : i32
    %dma_start3A_164 = tpu.memref_slice %arg6[%dma_start3A_160, %dma_start3A_162, %dma_start3A_163] : memref<3x512x16xf32, #tpu.memory_space<vmem>> -> memref<1x512x16xf32, #tpu.memory_space<vmem>>
    %dma_start3A_165 = tpu.memref_squeeze %dma_start3A_164 : memref<1x512x16xf32, #tpu.memory_space<vmem>> -> memref<512x16xf32, #tpu.memory_space<vmem>>
    %dma_start3A_166 = arith.constant 0 : i32
    %dma_start3A_167 = tpu.memref_slice %arg5[%dma_start3A_158, %dma_start3A_159, %dma_start3A_166] : memref<4x2x512xi32, #tpu.memory_space<vmem>> -> memref<1x1x512xi32, #tpu.memory_space<vmem>>
    %dma_start3A_168 = tpu.memref_squeeze %dma_start3A_167 : memref<1x1x512xi32, #tpu.memory_space<vmem>> -> memref<512xi32, #tpu.memory_space<vmem>>
    %dma_start3A_169 = arith.constant 0 : i32
    %dma_start3A_170 = arith.constant 0 : i32
    %dma_start3A_171 = tpu.memref_slice %arg3[%dma_start3A_169, %dma_start3A_170] : memref<100000x16xf32, #tpu.memory_space<hbm>> -> memref<100000x16xf32, #tpu.memory_space<hbm>>
    %dma_start3A_172 = tpu.memref_slice %arg8[%dma_start3A_161] : memref<3x!tpu.dma_semaphore, #tpu.memory_space<semaphore_mem>> -> memref<1x!tpu.dma_semaphore, #tpu.memory_space<semaphore_mem>>
    %dma_start3A_173 = tpu.memref_squeeze %dma_start3A_172 : memref<1x!tpu.dma_semaphore, #tpu.memory_space<semaphore_mem>> -> memref<!tpu.dma_semaphore, #tpu.memory_space<semaphore_mem>>
    tpu.enqueue_indirect_dma source(%dma_start3A_171 : memref<100000x16xf32, #tpu.memory_space<hbm>>) target(%dma_start3A_165 : memref<512x16xf32, #tpu.memory_space<vmem>>) offsets(%dma_start3A_168 : memref<512xi32, #tpu.memory_space<vmem>>) semaphore(%dma_start3A_173 : memref<!tpu.dma_semaphore, #tpu.memory_space<semaphore_mem>>)
    %dma_wait3A_174 = arith.constant 1 : i32
    %dma_wait3A_175 = arith.constant 0 : i32
    %dma_wait3A_176 = arith.constant 1 : i32
    %dma_wait3A_177 = arith.constant 0 : i32
    %dma_wait3A_178 = tpu.memref_slice %arg5[%dma_wait3A_174, %dma_wait3A_175, %dma_wait3A_177] : memref<4x2x512xi32, #tpu.memory_space<vmem>> -> memref<1x1x512xi32, #tpu.memory_space<vmem>>
    %dma_wait3A_179 = tpu.memref_squeeze %dma_wait3A_178 : memref<1x1x512xi32, #tpu.memory_space<vmem>> -> memref<512xi32, #tpu.memory_space<vmem>>
    %dma_wait3A_180 = arith.constant 0 : i32
    %dma_wait3A_181 = tpu.memref_slice %arg2[%dma_wait3A_180] : memref<6400000xi32, #tpu.memory_space<hbm>> -> memref<512xi32, #tpu.memory_space<hbm>>
    %dma_wait3A_182 = tpu.memref_slice %arg10[%dma_wait3A_176] : memref<4x!tpu.dma_semaphore, #tpu.memory_space<semaphore_mem>> -> memref<1x!tpu.dma_semaphore, #tpu.memory_space<semaphore_mem>>
    %dma_wait3A_183 = tpu.memref_squeeze %dma_wait3A_182 : memref<1x!tpu.dma_semaphore, #tpu.memory_space<semaphore_mem>> -> memref<!tpu.dma_semaphore, #tpu.memory_space<semaphore_mem>>
    %dma_wait3A_184 = arith.constant 0 : i32
    %dma_wait3A_185 = tpu.memref_slice %arg5[%dma_wait3A_174, %dma_wait3A_175, %dma_wait3A_184] : memref<4x2x512xi32, #tpu.memory_space<vmem>> -> memref<1x1x512xi32, #tpu.memory_space<vmem>>
    %dma_wait3A_186 = tpu.memref_squeeze %dma_wait3A_185 : memref<1x1x512xi32, #tpu.memory_space<vmem>> -> memref<512xi32, #tpu.memory_space<vmem>>
    %dma_wait3A_187 = arith.constant 0 : i32
    %dma_wait3A_188 = tpu.memref_slice %arg2[%dma_wait3A_187] : memref<6400000xi32, #tpu.memory_space<hbm>> -> memref<512xi32, #tpu.memory_space<hbm>>
    tpu.wait_dma2 semaphore(%dma_wait3A_183 : memref<!tpu.dma_semaphore, #tpu.memory_space<semaphore_mem>>) src(%dma_wait3A_188 : memref<512xi32, #tpu.memory_space<hbm>>) dst(%dma_wait3A_186 : memref<512xi32, #tpu.memory_space<vmem>>)
    %dma_wait3A_189 = arith.constant 1 : i32
    %dma_wait3A_190 = arith.constant 1 : i32
    %dma_wait3A_191 = arith.constant 1 : i32
    %dma_wait3A_192 = arith.constant 0 : i32
    %dma_wait3A_193 = tpu.memref_slice %arg5[%dma_wait3A_189, %dma_wait3A_190, %dma_wait3A_192] : memref<4x2x512xi32, #tpu.memory_space<vmem>> -> memref<1x1x512xi32, #tpu.memory_space<vmem>>
    %dma_wait3A_194 = tpu.memref_squeeze %dma_wait3A_193 : memref<1x1x512xi32, #tpu.memory_space<vmem>> -> memref<512xi32, #tpu.memory_space<vmem>>
    %dma_wait3A_195 = arith.constant 0 : i32
    %dma_wait3A_196 = tpu.memref_slice %arg2[%dma_wait3A_195] : memref<6400000xi32, #tpu.memory_space<hbm>> -> memref<512xi32, #tpu.memory_space<hbm>>
    %dma_wait3A_197 = tpu.memref_slice %arg10[%dma_wait3A_191] : memref<4x!tpu.dma_semaphore, #tpu.memory_space<semaphore_mem>> -> memref<1x!tpu.dma_semaphore, #tpu.memory_space<semaphore_mem>>
    %dma_wait3A_198 = tpu.memref_squeeze %dma_wait3A_197 : memref<1x!tpu.dma_semaphore, #tpu.memory_space<semaphore_mem>> -> memref<!tpu.dma_semaphore, #tpu.memory_space<semaphore_mem>>
    %dma_wait3A_199 = arith.constant 0 : i32
    %dma_wait3A_200 = tpu.memref_slice %arg5[%dma_wait3A_189, %dma_wait3A_190, %dma_wait3A_199] : memref<4x2x512xi32, #tpu.memory_space<vmem>> -> memref<1x1x512xi32, #tpu.memory_space<vmem>>
    %dma_wait3A_201 = tpu.memref_squeeze %dma_wait3A_200 : memref<1x1x512xi32, #tpu.memory_space<vmem>> -> memref<512xi32, #tpu.memory_space<vmem>>
    %dma_wait3A_202 = arith.constant 0 : i32
    %dma_wait3A_203 = tpu.memref_slice %arg2[%dma_wait3A_202] : memref<6400000xi32, #tpu.memory_space<hbm>> -> memref<512xi32, #tpu.memory_space<hbm>>
    tpu.wait_dma2 semaphore(%dma_wait3A_198 : memref<!tpu.dma_semaphore, #tpu.memory_space<semaphore_mem>>) src(%dma_wait3A_203 : memref<512xi32, #tpu.memory_space<hbm>>) dst(%dma_wait3A_201 : memref<512xi32, #tpu.memory_space<vmem>>)
    %dma_start3A_204 = arith.constant 1 : i32
    %dma_start3A_205 = arith.constant 0 : i32
    %dma_start3A_206 = arith.constant 1 : i32
    %dma_start3A_207 = arith.constant 1 : i32
    %dma_start3A_208 = arith.constant 0 : i32
    %dma_start3A_209 = arith.constant 0 : i32
    %dma_start3A_210 = tpu.memref_slice %arg6[%dma_start3A_206, %dma_start3A_208, %dma_start3A_209] : memref<3x512x16xf32, #tpu.memory_space<vmem>> -> memref<1x512x16xf32, #tpu.memory_space<vmem>>
    %dma_start3A_211 = tpu.memref_squeeze %dma_start3A_210 : memref<1x512x16xf32, #tpu.memory_space<vmem>> -> memref<512x16xf32, #tpu.memory_space<vmem>>
    %dma_start3A_212 = arith.constant 0 : i32
    %dma_start3A_213 = tpu.memref_slice %arg5[%dma_start3A_204, %dma_start3A_205, %dma_start3A_212] : memref<4x2x512xi32, #tpu.memory_space<vmem>> -> memref<1x1x512xi32, #tpu.memory_space<vmem>>
    %dma_start3A_214 = tpu.memref_squeeze %dma_start3A_213 : memref<1x1x512xi32, #tpu.memory_space<vmem>> -> memref<512xi32, #tpu.memory_space<vmem>>
    %dma_start3A_215 = arith.constant 0 : i32
    %dma_start3A_216 = arith.constant 0 : i32
    %dma_start3A_217 = tpu.memref_slice %arg3[%dma_start3A_215, %dma_start3A_216] : memref<100000x16xf32, #tpu.memory_space<hbm>> -> memref<100000x16xf32, #tpu.memory_space<hbm>>
    %dma_start3A_218 = tpu.memref_slice %arg8[%dma_start3A_207] : memref<3x!tpu.dma_semaphore, #tpu.memory_space<semaphore_mem>> -> memref<1x!tpu.dma_semaphore, #tpu.memory_space<semaphore_mem>>
    %dma_start3A_219 = tpu.memref_squeeze %dma_start3A_218 : memref<1x!tpu.dma_semaphore, #tpu.memory_space<semaphore_mem>> -> memref<!tpu.dma_semaphore, #tpu.memory_space<semaphore_mem>>
    tpu.enqueue_indirect_dma source(%dma_start3A_217 : memref<100000x16xf32, #tpu.memory_space<hbm>>) target(%dma_start3A_211 : memref<512x16xf32, #tpu.memory_space<vmem>>) offsets(%dma_start3A_214 : memref<512xi32, #tpu.memory_space<vmem>>) semaphore(%dma_start3A_219 : memref<!tpu.dma_semaphore, #tpu.memory_space<semaphore_mem>>)
    %while3A = arith.constant 0 : i32
    %while3A_220 = arith.constant 0 : i32
    %while3A_221 = arith.subi %add3A_21, %while3A_220 : i32
    %while3A_222 = arith.addi %while3A_220, %while3A_221 : i32
    %while3A_223 = arith.constant 1 : i32
    %while3A_224 = arith.divsi %while3A_221, %while3A_223 : i32
    %while3A_225 = arith.muli %while3A_224, %while3A_223 : i32
    %while3A_226 = arith.addi %while3A_220, %while3A_225 : i32
    %while3A_227 = arith.constant 1 : i32
    scf.for %while3A_293 = %while3A_220 to %while3A_226 step %while3A_227  : i32 {
      %rem3A = arith.constant 4 : i32
      %rem3A_294 = arith.remsi %while3A_293, %rem3A : i32
      %add3A_295 = arith.constant 2 : i32
      %add3A_296 = arith.addi %while3A_293, %add3A_295 : i32
      %rem3A_297 = arith.constant 4 : i32
      %rem3A_298 = arith.remsi %add3A_296, %rem3A_297 : i32
      %add3A_299 = arith.constant 3 : i32
      %add3A_300 = arith.addi %while3A_293, %add3A_299 : i32
      %rem3A_301 = arith.constant 4 : i32
      %rem3A_302 = arith.remsi %add3A_300, %rem3A_301 : i32
      %rem3A_303 = arith.constant 3 : i32
      %rem3A_304 = arith.remsi %while3A_293, %rem3A_303 : i32
      %add3A_305 = arith.constant 2 : i32
      %add3A_306 = arith.addi %while3A_293, %add3A_305 : i32
      %rem3A_307 = arith.constant 3 : i32
      %rem3A_308 = arith.remsi %add3A_306, %rem3A_307 : i32
      %add3A_309 = arith.constant 2 : i32
      %add3A_310 = arith.addi %while3A_293, %add3A_309 : i32
      %lt3A_311 = arith.cmpi slt, %add3A_310, %add3A_21 : i32
      %convert_element_type3A = arith.extui %lt3A_311 : i1 to i32
      %cond3A = arith.constant 0 : i32
      %cond3A_312 = arith.cmpi ne, %convert_element_type3A, %cond3A : i32
      scf.if %cond3A_312 {
        %ge3A = arith.constant 1 : i32
        %ge3A_345 = arith.cmpi sge, %while3A_293, %ge3A : i32
        %convert_element_type3A_346 = arith.extui %ge3A_345 : i1 to i32
        %cond3A_347 = arith.constant 0 : i32
        %cond3A_348 = arith.cmpi ne, %convert_element_type3A_346, %cond3A_347 : i32
        scf.if %cond3A_348 {
          %dma_wait3A_394 = arith.constant 0 : i32
          %dma_wait3A_395 = arith.constant 0 : i32
          %dma_wait3A_396 = arith.constant 0 : i32
          %dma_wait3A_397 = tpu.memref_slice %arg6[%rem3A_308, %dma_wait3A_395, %dma_wait3A_396] : memref<3x512x16xf32, #tpu.memory_space<vmem>> -> memref<1x512x16xf32, #tpu.memory_space<vmem>>
          %dma_wait3A_398 = tpu.memref_squeeze %dma_wait3A_397 : memref<1x512x16xf32, #tpu.memory_space<vmem>> -> memref<512x16xf32, #tpu.memory_space<vmem>>
          %dma_wait3A_399 = arith.constant 0 : i32
          %dma_wait3A_400 = arith.constant 0 : i32
          %dma_wait3A_401 = tpu.memref_slice %arg4[%dma_wait3A_394, %dma_wait3A_399, %dma_wait3A_400] : memref<2x100352x16xf32, #tpu.memory_space<hbm>> -> memref<1x512x16xf32, #tpu.memory_space<hbm>>
          %dma_wait3A_402 = tpu.memref_squeeze %dma_wait3A_401 : memref<1x512x16xf32, #tpu.memory_space<hbm>> -> memref<512x16xf32, #tpu.memory_space<hbm>>
          %dma_wait3A_403 = tpu.memref_slice %arg9[%rem3A_308] : memref<3x!tpu.dma_semaphore, #tpu.memory_space<semaphore_mem>> -> memref<1x!tpu.dma_semaphore, #tpu.memory_space<semaphore_mem>>
          %dma_wait3A_404 = tpu.memref_squeeze %dma_wait3A_403 : memref<1x!tpu.dma_semaphore, #tpu.memory_space<semaphore_mem>> -> memref<!tpu.dma_semaphore, #tpu.memory_space<semaphore_mem>>
          %dma_wait3A_405 = arith.constant 0 : i32
          %dma_wait3A_406 = arith.constant 0 : i32
          %dma_wait3A_407 = tpu.memref_slice %arg6[%rem3A_308, %dma_wait3A_405, %dma_wait3A_406] : memref<3x512x16xf32, #tpu.memory_space<vmem>> -> memref<1x512x16xf32, #tpu.memory_space<vmem>>
          %dma_wait3A_408 = tpu.memref_squeeze %dma_wait3A_407 : memref<1x512x16xf32, #tpu.memory_space<vmem>> -> memref<512x16xf32, #tpu.memory_space<vmem>>
          %dma_wait3A_409 = arith.constant 0 : i32
          %dma_wait3A_410 = arith.constant 0 : i32
          %dma_wait3A_411 = tpu.memref_slice %arg4[%dma_wait3A_394, %dma_wait3A_409, %dma_wait3A_410] : memref<2x100352x16xf32, #tpu.memory_space<hbm>> -> memref<1x512x16xf32, #tpu.memory_space<hbm>>
          %dma_wait3A_412 = tpu.memref_squeeze %dma_wait3A_411 : memref<1x512x16xf32, #tpu.memory_space<hbm>> -> memref<512x16xf32, #tpu.memory_space<hbm>>
          tpu.wait_dma2 semaphore(%dma_wait3A_404 : memref<!tpu.dma_semaphore, #tpu.memory_space<semaphore_mem>>) src(%dma_wait3A_412 : memref<512x16xf32, #tpu.memory_space<hbm>>) dst(%dma_wait3A_408 : memref<512x16xf32, #tpu.memory_space<vmem>>)
        } else {
        }
        %add3A_349 = arith.constant 3 : i32
        %add3A_350 = arith.addi %while3A_293, %add3A_349 : i32
        %lt3A_351 = arith.cmpi slt, %add3A_350, %add3A_21 : i32
        %convert_element_type3A_352 = arith.extui %lt3A_351 : i1 to i32
        %cond3A_353 = arith.constant 0 : i32
        %cond3A_354 = arith.cmpi ne, %convert_element_type3A_352, %cond3A_353 : i32
        scf.if %cond3A_354 {
          %add3A_394 = arith.constant 3 : i32
          %add3A_395 = arith.addi %while3A_293, %add3A_394 : i32
          %add3A_396 = arith.addi %add3A_17, %add3A_395 : i32
          %mul3A_397 = arith.constant 512 : i32
          %mul3A_398 = arith.muli %add3A_396, %mul3A_397 : i32
          %dma_start3A_399 = arith.constant 0 : i32
          %dma_start3A_400 = arith.constant 0 : i32
          %dma_start3A_401 = tpu.memref_slice %arg5[%rem3A_302, %dma_start3A_399, %dma_start3A_400] : memref<4x2x512xi32, #tpu.memory_space<vmem>> -> memref<1x1x512xi32, #tpu.memory_space<vmem>>
          %dma_start3A_402 = tpu.memref_squeeze %dma_start3A_401 : memref<1x1x512xi32, #tpu.memory_space<vmem>> -> memref<512xi32, #tpu.memory_space<vmem>>
          %dma_start3A_403 = tpu.memref_slice %arg2[%mul3A_398] : memref<6400000xi32, #tpu.memory_space<hbm>> -> memref<512xi32, #tpu.memory_space<hbm>>
          %dma_start3A_404 = tpu.memref_slice %arg10[%rem3A_302] : memref<4x!tpu.dma_semaphore, #tpu.memory_space<semaphore_mem>> -> memref<1x!tpu.dma_semaphore, #tpu.memory_space<semaphore_mem>>
          %dma_start3A_405 = tpu.memref_squeeze %dma_start3A_404 : memref<1x!tpu.dma_semaphore, #tpu.memory_space<semaphore_mem>> -> memref<!tpu.dma_semaphore, #tpu.memory_space<semaphore_mem>>
          %dma_start3A_406 = arith.constant 0 : i32
          %dma_start3A_407 = tpu.memref_slice %arg5[%rem3A_302, %dma_start3A_399, %dma_start3A_406] : memref<4x2x512xi32, #tpu.memory_space<vmem>> -> memref<1x1x512xi32, #tpu.memory_space<vmem>>
          %dma_start3A_408 = tpu.memref_squeeze %dma_start3A_407 : memref<1x1x512xi32, #tpu.memory_space<vmem>> -> memref<512xi32, #tpu.memory_space<vmem>>
          %dma_start3A_409 = tpu.memref_slice %arg2[%mul3A_398] : memref<6400000xi32, #tpu.memory_space<hbm>> -> memref<512xi32, #tpu.memory_space<hbm>>
          tpu.enqueue_dma source(%dma_start3A_409 : memref<512xi32, #tpu.memory_space<hbm>>) target(%dma_start3A_408 : memref<512xi32, #tpu.memory_space<vmem>>) target_semaphore(%dma_start3A_405 : memref<!tpu.dma_semaphore, #tpu.memory_space<semaphore_mem>>)
          %add3A_410 = arith.addi %add3A_17, %add3A_395 : i32
          %mul3A_411 = arith.constant 512 : i32
          %mul3A_412 = arith.muli %add3A_410, %mul3A_411 : i32
          %add3A_413 = arith.constant 3200000 : i32
          %add3A_414 = arith.addi %add3A_413, %mul3A_412 : i32
          %dma_start3A_415 = arith.constant 1 : i32
          %dma_start3A_416 = arith.constant 0 : i32
          %dma_start3A_417 = tpu.memref_slice %arg5[%rem3A_302, %dma_start3A_415, %dma_start3A_416] : memref<4x2x512xi32, #tpu.memory_space<vmem>> -> memref<1x1x512xi32, #tpu.memory_space<vmem>>
          %dma_start3A_418 = tpu.memref_squeeze %dma_start3A_417 : memref<1x1x512xi32, #tpu.memory_space<vmem>> -> memref<512xi32, #tpu.memory_space<vmem>>
          %dma_start3A_419 = tpu.memref_slice %arg2[%add3A_414] : memref<6400000xi32, #tpu.memory_space<hbm>> -> memref<512xi32, #tpu.memory_space<hbm>>
          %dma_start3A_420 = tpu.memref_slice %arg10[%rem3A_302] : memref<4x!tpu.dma_semaphore, #tpu.memory_space<semaphore_mem>> -> memref<1x!tpu.dma_semaphore, #tpu.memory_space<semaphore_mem>>
          %dma_start3A_421 = tpu.memref_squeeze %dma_start3A_420 : memref<1x!tpu.dma_semaphore, #tpu.memory_space<semaphore_mem>> -> memref<!tpu.dma_semaphore, #tpu.memory_space<semaphore_mem>>
          %dma_start3A_422 = arith.constant 0 : i32
          %dma_start3A_423 = tpu.memref_slice %arg5[%rem3A_302, %dma_start3A_415, %dma_start3A_422] : memref<4x2x512xi32, #tpu.memory_space<vmem>> -> memref<1x1x512xi32, #tpu.memory_space<vmem>>
          %dma_start3A_424 = tpu.memref_squeeze %dma_start3A_423 : memref<1x1x512xi32, #tpu.memory_space<vmem>> -> memref<512xi32, #tpu.memory_space<vmem>>
          %dma_start3A_425 = tpu.memref_slice %arg2[%add3A_414] : memref<6400000xi32, #tpu.memory_space<hbm>> -> memref<512xi32, #tpu.memory_space<hbm>>
          tpu.enqueue_dma source(%dma_start3A_425 : memref<512xi32, #tpu.memory_space<hbm>>) target(%dma_start3A_424 : memref<512xi32, #tpu.memory_space<vmem>>) target_semaphore(%dma_start3A_421 : memref<!tpu.dma_semaphore, #tpu.memory_space<semaphore_mem>>)
        } else {
        }
        %dma_wait3A_355 = arith.constant 0 : i32
        %dma_wait3A_356 = arith.constant 0 : i32
        %dma_wait3A_357 = tpu.memref_slice %arg5[%rem3A_298, %dma_wait3A_355, %dma_wait3A_356] : memref<4x2x512xi32, #tpu.memory_space<vmem>> -> memref<1x1x512xi32, #tpu.memory_space<vmem>>
        %dma_wait3A_358 = tpu.memref_squeeze %dma_wait3A_357 : memref<1x1x512xi32, #tpu.memory_space<vmem>> -> memref<512xi32, #tpu.memory_space<vmem>>
        %dma_wait3A_359 = arith.constant 0 : i32
        %dma_wait3A_360 = tpu.memref_slice %arg2[%dma_wait3A_359] : memref<6400000xi32, #tpu.memory_space<hbm>> -> memref<512xi32, #tpu.memory_space<hbm>>
        %dma_wait3A_361 = tpu.memref_slice %arg10[%rem3A_298] : memref<4x!tpu.dma_semaphore, #tpu.memory_space<semaphore_mem>> -> memref<1x!tpu.dma_semaphore, #tpu.memory_space<semaphore_mem>>
        %dma_wait3A_362 = tpu.memref_squeeze %dma_wait3A_361 : memref<1x!tpu.dma_semaphore, #tpu.memory_space<semaphore_mem>> -> memref<!tpu.dma_semaphore, #tpu.memory_space<semaphore_mem>>
        %dma_wait3A_363 = arith.constant 0 : i32
        %dma_wait3A_364 = tpu.memref_slice %arg5[%rem3A_298, %dma_wait3A_355, %dma_wait3A_363] : memref<4x2x512xi32, #tpu.memory_space<vmem>> -> memref<1x1x512xi32, #tpu.memory_space<vmem>>
        %dma_wait3A_365 = tpu.memref_squeeze %dma_wait3A_364 : memref<1x1x512xi32, #tpu.memory_space<vmem>> -> memref<512xi32, #tpu.memory_space<vmem>>
        %dma_wait3A_366 = arith.constant 0 : i32
        %dma_wait3A_367 = tpu.memref_slice %arg2[%dma_wait3A_366] : memref<6400000xi32, #tpu.memory_space<hbm>> -> memref<512xi32, #tpu.memory_space<hbm>>
        tpu.wait_dma2 semaphore(%dma_wait3A_362 : memref<!tpu.dma_semaphore, #tpu.memory_space<semaphore_mem>>) src(%dma_wait3A_367 : memref<512xi32, #tpu.memory_space<hbm>>) dst(%dma_wait3A_365 : memref<512xi32, #tpu.memory_space<vmem>>)
        %dma_wait3A_368 = arith.constant 1 : i32
        %dma_wait3A_369 = arith.constant 0 : i32
        %dma_wait3A_370 = tpu.memref_slice %arg5[%rem3A_298, %dma_wait3A_368, %dma_wait3A_369] : memref<4x2x512xi32, #tpu.memory_space<vmem>> -> memref<1x1x512xi32, #tpu.memory_space<vmem>>
        %dma_wait3A_371 = tpu.memref_squeeze %dma_wait3A_370 : memref<1x1x512xi32, #tpu.memory_space<vmem>> -> memref<512xi32, #tpu.memory_space<vmem>>
        %dma_wait3A_372 = arith.constant 0 : i32
        %dma_wait3A_373 = tpu.memref_slice %arg2[%dma_wait3A_372] : memref<6400000xi32, #tpu.memory_space<hbm>> -> memref<512xi32, #tpu.memory_space<hbm>>
        %dma_wait3A_374 = tpu.memref_slice %arg10[%rem3A_298] : memref<4x!tpu.dma_semaphore, #tpu.memory_space<semaphore_mem>> -> memref<1x!tpu.dma_semaphore, #tpu.memory_space<semaphore_mem>>
        %dma_wait3A_375 = tpu.memref_squeeze %dma_wait3A_374 : memref<1x!tpu.dma_semaphore, #tpu.memory_space<semaphore_mem>> -> memref<!tpu.dma_semaphore, #tpu.memory_space<semaphore_mem>>
        %dma_wait3A_376 = arith.constant 0 : i32
        %dma_wait3A_377 = tpu.memref_slice %arg5[%rem3A_298, %dma_wait3A_368, %dma_wait3A_376] : memref<4x2x512xi32, #tpu.memory_space<vmem>> -> memref<1x1x512xi32, #tpu.memory_space<vmem>>
        %dma_wait3A_378 = tpu.memref_squeeze %dma_wait3A_377 : memref<1x1x512xi32, #tpu.memory_space<vmem>> -> memref<512xi32, #tpu.memory_space<vmem>>
        %dma_wait3A_379 = arith.constant 0 : i32
        %dma_wait3A_380 = tpu.memref_slice %arg2[%dma_wait3A_379] : memref<6400000xi32, #tpu.memory_space<hbm>> -> memref<512xi32, #tpu.memory_space<hbm>>
        tpu.wait_dma2 semaphore(%dma_wait3A_375 : memref<!tpu.dma_semaphore, #tpu.memory_space<semaphore_mem>>) src(%dma_wait3A_380 : memref<512xi32, #tpu.memory_space<hbm>>) dst(%dma_wait3A_378 : memref<512xi32, #tpu.memory_space<vmem>>)
        %dma_start3A_381 = arith.constant 0 : i32
        %dma_start3A_382 = arith.constant 0 : i32
        %dma_start3A_383 = arith.constant 0 : i32
        %dma_start3A_384 = tpu.memref_slice %arg6[%rem3A_308, %dma_start3A_382, %dma_start3A_383] : memref<3x512x16xf32, #tpu.memory_space<vmem>> -> memref<1x512x16xf32, #tpu.memory_space<vmem>>
        %dma_start3A_385 = tpu.memref_squeeze %dma_start3A_384 : memref<1x512x16xf32, #tpu.memory_space<vmem>> -> memref<512x16xf32, #tpu.memory_space<vmem>>
        %dma_start3A_386 = arith.constant 0 : i32
        %dma_start3A_387 = tpu.memref_slice %arg5[%rem3A_298, %dma_start3A_381, %dma_start3A_386] : memref<4x2x512xi32, #tpu.memory_space<vmem>> -> memref<1x1x512xi32, #tpu.memory_space<vmem>>
        %dma_start3A_388 = tpu.memref_squeeze %dma_start3A_387 : memref<1x1x512xi32, #tpu.memory_space<vmem>> -> memref<512xi32, #tpu.memory_space<vmem>>
        %dma_start3A_389 = arith.constant 0 : i32
        %dma_start3A_390 = arith.constant 0 : i32
        %dma_start3A_391 = tpu.memref_slice %arg3[%dma_start3A_389, %dma_start3A_390] : memref<100000x16xf32, #tpu.memory_space<hbm>> -> memref<100000x16xf32, #tpu.memory_space<hbm>>
        %dma_start3A_392 = tpu.memref_slice %arg8[%rem3A_308] : memref<3x!tpu.dma_semaphore, #tpu.memory_space<semaphore_mem>> -> memref<1x!tpu.dma_semaphore, #tpu.memory_space<semaphore_mem>>
        %dma_start3A_393 = tpu.memref_squeeze %dma_start3A_392 : memref<1x!tpu.dma_semaphore, #tpu.memory_space<semaphore_mem>> -> memref<!tpu.dma_semaphore, #tpu.memory_space<semaphore_mem>>
        tpu.enqueue_indirect_dma source(%dma_start3A_391 : memref<100000x16xf32, #tpu.memory_space<hbm>>) target(%dma_start3A_385 : memref<512x16xf32, #tpu.memory_space<vmem>>) offsets(%dma_start3A_388 : memref<512xi32, #tpu.memory_space<vmem>>) semaphore(%dma_start3A_393 : memref<!tpu.dma_semaphore, #tpu.memory_space<semaphore_mem>>)
      } else {
      }
      %dma_wait3A_313 = arith.constant 0 : i32
      %dma_wait3A_314 = arith.constant 0 : i32
      %dma_wait3A_315 = arith.constant 0 : i32
      %dma_wait3A_316 = tpu.memref_slice %arg6[%rem3A_304, %dma_wait3A_314, %dma_wait3A_315] : memref<3x512x16xf32, #tpu.memory_space<vmem>> -> memref<1x512x16xf32, #tpu.memory_space<vmem>>
      %dma_wait3A_317 = tpu.memref_squeeze %dma_wait3A_316 : memref<1x512x16xf32, #tpu.memory_space<vmem>> -> memref<512x16xf32, #tpu.memory_space<vmem>>
      %dma_wait3A_318 = arith.constant 0 : i32
      %dma_wait3A_319 = arith.constant 0 : i32
      %dma_wait3A_320 = tpu.memref_slice %arg4[%dma_wait3A_313, %dma_wait3A_318, %dma_wait3A_319] : memref<2x100352x16xf32, #tpu.memory_space<hbm>> -> memref<1x512x16xf32, #tpu.memory_space<hbm>>
      %dma_wait3A_321 = tpu.memref_squeeze %dma_wait3A_320 : memref<1x512x16xf32, #tpu.memory_space<hbm>> -> memref<512x16xf32, #tpu.memory_space<hbm>>
      %dma_wait3A_322 = tpu.memref_slice %arg8[%rem3A_304] : memref<3x!tpu.dma_semaphore, #tpu.memory_space<semaphore_mem>> -> memref<1x!tpu.dma_semaphore, #tpu.memory_space<semaphore_mem>>
      %dma_wait3A_323 = tpu.memref_squeeze %dma_wait3A_322 : memref<1x!tpu.dma_semaphore, #tpu.memory_space<semaphore_mem>> -> memref<!tpu.dma_semaphore, #tpu.memory_space<semaphore_mem>>
      %dma_wait3A_324 = arith.constant 0 : i32
      %dma_wait3A_325 = arith.constant 0 : i32
      %dma_wait3A_326 = tpu.memref_slice %arg6[%rem3A_304, %dma_wait3A_324, %dma_wait3A_325] : memref<3x512x16xf32, #tpu.memory_space<vmem>> -> memref<1x512x16xf32, #tpu.memory_space<vmem>>
      %dma_wait3A_327 = tpu.memref_squeeze %dma_wait3A_326 : memref<1x512x16xf32, #tpu.memory_space<vmem>> -> memref<512x16xf32, #tpu.memory_space<vmem>>
      %dma_wait3A_328 = arith.constant 0 : i32
      %dma_wait3A_329 = arith.constant 0 : i32
      %dma_wait3A_330 = tpu.memref_slice %arg4[%dma_wait3A_313, %dma_wait3A_328, %dma_wait3A_329] : memref<2x100352x16xf32, #tpu.memory_space<hbm>> -> memref<1x512x16xf32, #tpu.memory_space<hbm>>
      %dma_wait3A_331 = tpu.memref_squeeze %dma_wait3A_330 : memref<1x512x16xf32, #tpu.memory_space<hbm>> -> memref<512x16xf32, #tpu.memory_space<hbm>>
      tpu.wait_dma2 semaphore(%dma_wait3A_323 : memref<!tpu.dma_semaphore, #tpu.memory_space<semaphore_mem>>) src(%dma_wait3A_331 : memref<512x16xf32, #tpu.memory_space<hbm>>) dst(%dma_wait3A_327 : memref<512x16xf32, #tpu.memory_space<vmem>>)
      %dma_start3A_332 = arith.constant 1 : i32
      %dma_start3A_333 = arith.constant 0 : i32
      %dma_start3A_334 = arith.constant 0 : i32
      %dma_start3A_335 = tpu.memref_slice %arg6[%rem3A_304, %dma_start3A_333, %dma_start3A_334] : memref<3x512x16xf32, #tpu.memory_space<vmem>> -> memref<1x512x16xf32, #tpu.memory_space<vmem>>
      %dma_start3A_336 = tpu.memref_squeeze %dma_start3A_335 : memref<1x512x16xf32, #tpu.memory_space<vmem>> -> memref<512x16xf32, #tpu.memory_space<vmem>>
      %dma_start3A_337 = arith.constant 0 : i32
      %dma_start3A_338 = tpu.memref_slice %arg5[%rem3A_294, %dma_start3A_332, %dma_start3A_337] : memref<4x2x512xi32, #tpu.memory_space<vmem>> -> memref<1x1x512xi32, #tpu.memory_space<vmem>>
      %dma_start3A_339 = tpu.memref_squeeze %dma_start3A_338 : memref<1x1x512xi32, #tpu.memory_space<vmem>> -> memref<512xi32, #tpu.memory_space<vmem>>
      %dma_start3A_340 = arith.constant 0 : i32
      %dma_start3A_341 = arith.constant 0 : i32
      %dma_start3A_342 = tpu.memref_slice %arg7[%dma_start3A_340, %dma_start3A_341] : memref<100352x16xf32, #tpu.memory_space<vmem_shared>> -> memref<100352x16xf32, #tpu.memory_space<vmem_shared>>
      %dma_start3A_343 = tpu.memref_slice %arg9[%rem3A_304] : memref<3x!tpu.dma_semaphore, #tpu.memory_space<semaphore_mem>> -> memref<1x!tpu.dma_semaphore, #tpu.memory_space<semaphore_mem>>
      %dma_start3A_344 = tpu.memref_squeeze %dma_start3A_343 : memref<1x!tpu.dma_semaphore, #tpu.memory_space<semaphore_mem>> -> memref<!tpu.dma_semaphore, #tpu.memory_space<semaphore_mem>>
      tpu.enqueue_indirect_dma source(%dma_start3A_336 : memref<512x16xf32, #tpu.memory_space<vmem>>) target(%dma_start3A_342 : memref<100352x16xf32, #tpu.memory_space<vmem_shared>>) offsets(%dma_start3A_339 : memref<512xi32, #tpu.memory_space<vmem>>) semaphore(%dma_start3A_344 : memref<!tpu.dma_semaphore, #tpu.memory_space<semaphore_mem>>) {add = true}
    }
    %while3A_228 = arith.constant 1 : i32
    scf.for %while3A_293 = %while3A_226 to %while3A_222 step %while3A_228  : i32 {
      %rem3A = arith.constant 4 : i32
      %rem3A_294 = arith.remsi %while3A_293, %rem3A : i32
      %add3A_295 = arith.constant 2 : i32
      %add3A_296 = arith.addi %while3A_293, %add3A_295 : i32
      %rem3A_297 = arith.constant 4 : i32
      %rem3A_298 = arith.remsi %add3A_296, %rem3A_297 : i32
      %add3A_299 = arith.constant 3 : i32
      %add3A_300 = arith.addi %while3A_293, %add3A_299 : i32
      %rem3A_301 = arith.constant 4 : i32
      %rem3A_302 = arith.remsi %add3A_300, %rem3A_301 : i32
      %rem3A_303 = arith.constant 3 : i32
      %rem3A_304 = arith.remsi %while3A_293, %rem3A_303 : i32
      %add3A_305 = arith.constant 2 : i32
      %add3A_306 = arith.addi %while3A_293, %add3A_305 : i32
      %rem3A_307 = arith.constant 3 : i32
      %rem3A_308 = arith.remsi %add3A_306, %rem3A_307 : i32
      %add3A_309 = arith.constant 2 : i32
      %add3A_310 = arith.addi %while3A_293, %add3A_309 : i32
      %lt3A_311 = arith.cmpi slt, %add3A_310, %add3A_21 : i32
      %convert_element_type3A = arith.extui %lt3A_311 : i1 to i32
      %cond3A = arith.constant 0 : i32
      %cond3A_312 = arith.cmpi ne, %convert_element_type3A, %cond3A : i32
      scf.if %cond3A_312 {
        %ge3A = arith.constant 1 : i32
        %ge3A_345 = arith.cmpi sge, %while3A_293, %ge3A : i32
        %convert_element_type3A_346 = arith.extui %ge3A_345 : i1 to i32
        %cond3A_347 = arith.constant 0 : i32
        %cond3A_348 = arith.cmpi ne, %convert_element_type3A_346, %cond3A_347 : i32
        scf.if %cond3A_348 {
          %dma_wait3A_394 = arith.constant 0 : i32
          %dma_wait3A_395 = arith.constant 0 : i32
          %dma_wait3A_396 = arith.constant 0 : i32
          %dma_wait3A_397 = tpu.memref_slice %arg6[%rem3A_308, %dma_wait3A_395, %dma_wait3A_396] : memref<3x512x16xf32, #tpu.memory_space<vmem>> -> memref<1x512x16xf32, #tpu.memory_space<vmem>>
          %dma_wait3A_398 = tpu.memref_squeeze %dma_wait3A_397 : memref<1x512x16xf32, #tpu.memory_space<vmem>> -> memref<512x16xf32, #tpu.memory_space<vmem>>
          %dma_wait3A_399 = arith.constant 0 : i32
          %dma_wait3A_400 = arith.constant 0 : i32
          %dma_wait3A_401 = tpu.memref_slice %arg4[%dma_wait3A_394, %dma_wait3A_399, %dma_wait3A_400] : memref<2x100352x16xf32, #tpu.memory_space<hbm>> -> memref<1x512x16xf32, #tpu.memory_space<hbm>>
          %dma_wait3A_402 = tpu.memref_squeeze %dma_wait3A_401 : memref<1x512x16xf32, #tpu.memory_space<hbm>> -> memref<512x16xf32, #tpu.memory_space<hbm>>
          %dma_wait3A_403 = tpu.memref_slice %arg9[%rem3A_308] : memref<3x!tpu.dma_semaphore, #tpu.memory_space<semaphore_mem>> -> memref<1x!tpu.dma_semaphore, #tpu.memory_space<semaphore_mem>>
          %dma_wait3A_404 = tpu.memref_squeeze %dma_wait3A_403 : memref<1x!tpu.dma_semaphore, #tpu.memory_space<semaphore_mem>> -> memref<!tpu.dma_semaphore, #tpu.memory_space<semaphore_mem>>
          %dma_wait3A_405 = arith.constant 0 : i32
          %dma_wait3A_406 = arith.constant 0 : i32
          %dma_wait3A_407 = tpu.memref_slice %arg6[%rem3A_308, %dma_wait3A_405, %dma_wait3A_406] : memref<3x512x16xf32, #tpu.memory_space<vmem>> -> memref<1x512x16xf32, #tpu.memory_space<vmem>>
          %dma_wait3A_408 = tpu.memref_squeeze %dma_wait3A_407 : memref<1x512x16xf32, #tpu.memory_space<vmem>> -> memref<512x16xf32, #tpu.memory_space<vmem>>
          %dma_wait3A_409 = arith.constant 0 : i32
          %dma_wait3A_410 = arith.constant 0 : i32
          %dma_wait3A_411 = tpu.memref_slice %arg4[%dma_wait3A_394, %dma_wait3A_409, %dma_wait3A_410] : memref<2x100352x16xf32, #tpu.memory_space<hbm>> -> memref<1x512x16xf32, #tpu.memory_space<hbm>>
          %dma_wait3A_412 = tpu.memref_squeeze %dma_wait3A_411 : memref<1x512x16xf32, #tpu.memory_space<hbm>> -> memref<512x16xf32, #tpu.memory_space<hbm>>
          tpu.wait_dma2 semaphore(%dma_wait3A_404 : memref<!tpu.dma_semaphore, #tpu.memory_space<semaphore_mem>>) src(%dma_wait3A_412 : memref<512x16xf32, #tpu.memory_space<hbm>>) dst(%dma_wait3A_408 : memref<512x16xf32, #tpu.memory_space<vmem>>)
        } else {
        }
        %add3A_349 = arith.constant 3 : i32
        %add3A_350 = arith.addi %while3A_293, %add3A_349 : i32
        %lt3A_351 = arith.cmpi slt, %add3A_350, %add3A_21 : i32
        %convert_element_type3A_352 = arith.extui %lt3A_351 : i1 to i32
        %cond3A_353 = arith.constant 0 : i32
        %cond3A_354 = arith.cmpi ne, %convert_element_type3A_352, %cond3A_353 : i32
        scf.if %cond3A_354 {
          %add3A_394 = arith.constant 3 : i32
          %add3A_395 = arith.addi %while3A_293, %add3A_394 : i32
          %add3A_396 = arith.addi %add3A_17, %add3A_395 : i32
          %mul3A_397 = arith.constant 512 : i32
          %mul3A_398 = arith.muli %add3A_396, %mul3A_397 : i32
          %dma_start3A_399 = arith.constant 0 : i32
          %dma_start3A_400 = arith.constant 0 : i32
          %dma_start3A_401 = tpu.memref_slice %arg5[%rem3A_302, %dma_start3A_399, %dma_start3A_400] : memref<4x2x512xi32, #tpu.memory_space<vmem>> -> memref<1x1x512xi32, #tpu.memory_space<vmem>>
          %dma_start3A_402 = tpu.memref_squeeze %dma_start3A_401 : memref<1x1x512xi32, #tpu.memory_space<vmem>> -> memref<512xi32, #tpu.memory_space<vmem>>
          %dma_start3A_403 = tpu.memref_slice %arg2[%mul3A_398] : memref<6400000xi32, #tpu.memory_space<hbm>> -> memref<512xi32, #tpu.memory_space<hbm>>
          %dma_start3A_404 = tpu.memref_slice %arg10[%rem3A_302] : memref<4x!tpu.dma_semaphore, #tpu.memory_space<semaphore_mem>> -> memref<1x!tpu.dma_semaphore, #tpu.memory_space<semaphore_mem>>
          %dma_start3A_405 = tpu.memref_squeeze %dma_start3A_404 : memref<1x!tpu.dma_semaphore, #tpu.memory_space<semaphore_mem>> -> memref<!tpu.dma_semaphore, #tpu.memory_space<semaphore_mem>>
          %dma_start3A_406 = arith.constant 0 : i32
          %dma_start3A_407 = tpu.memref_slice %arg5[%rem3A_302, %dma_start3A_399, %dma_start3A_406] : memref<4x2x512xi32, #tpu.memory_space<vmem>> -> memref<1x1x512xi32, #tpu.memory_space<vmem>>
          %dma_start3A_408 = tpu.memref_squeeze %dma_start3A_407 : memref<1x1x512xi32, #tpu.memory_space<vmem>> -> memref<512xi32, #tpu.memory_space<vmem>>
          %dma_start3A_409 = tpu.memref_slice %arg2[%mul3A_398] : memref<6400000xi32, #tpu.memory_space<hbm>> -> memref<512xi32, #tpu.memory_space<hbm>>
          tpu.enqueue_dma source(%dma_start3A_409 : memref<512xi32, #tpu.memory_space<hbm>>) target(%dma_start3A_408 : memref<512xi32, #tpu.memory_space<vmem>>) target_semaphore(%dma_start3A_405 : memref<!tpu.dma_semaphore, #tpu.memory_space<semaphore_mem>>)
          %add3A_410 = arith.addi %add3A_17, %add3A_395 : i32
          %mul3A_411 = arith.constant 512 : i32
          %mul3A_412 = arith.muli %add3A_410, %mul3A_411 : i32
          %add3A_413 = arith.constant 3200000 : i32
          %add3A_414 = arith.addi %add3A_413, %mul3A_412 : i32
          %dma_start3A_415 = arith.constant 1 : i32
          %dma_start3A_416 = arith.constant 0 : i32
          %dma_start3A_417 = tpu.memref_slice %arg5[%rem3A_302, %dma_start3A_415, %dma_start3A_416] : memref<4x2x512xi32, #tpu.memory_space<vmem>> -> memref<1x1x512xi32, #tpu.memory_space<vmem>>
          %dma_start3A_418 = tpu.memref_squeeze %dma_start3A_417 : memref<1x1x512xi32, #tpu.memory_space<vmem>> -> memref<512xi32, #tpu.memory_space<vmem>>
          %dma_start3A_419 = tpu.memref_slice %arg2[%add3A_414] : memref<6400000xi32, #tpu.memory_space<hbm>> -> memref<512xi32, #tpu.memory_space<hbm>>
          %dma_start3A_420 = tpu.memref_slice %arg10[%rem3A_302] : memref<4x!tpu.dma_semaphore, #tpu.memory_space<semaphore_mem>> -> memref<1x!tpu.dma_semaphore, #tpu.memory_space<semaphore_mem>>
          %dma_start3A_421 = tpu.memref_squeeze %dma_start3A_420 : memref<1x!tpu.dma_semaphore, #tpu.memory_space<semaphore_mem>> -> memref<!tpu.dma_semaphore, #tpu.memory_space<semaphore_mem>>
          %dma_start3A_422 = arith.constant 0 : i32
          %dma_start3A_423 = tpu.memref_slice %arg5[%rem3A_302, %dma_start3A_415, %dma_start3A_422] : memref<4x2x512xi32, #tpu.memory_space<vmem>> -> memref<1x1x512xi32, #tpu.memory_space<vmem>>
          %dma_start3A_424 = tpu.memref_squeeze %dma_start3A_423 : memref<1x1x512xi32, #tpu.memory_space<vmem>> -> memref<512xi32, #tpu.memory_space<vmem>>
          %dma_start3A_425 = tpu.memref_slice %arg2[%add3A_414] : memref<6400000xi32, #tpu.memory_space<hbm>> -> memref<512xi32, #tpu.memory_space<hbm>>
          tpu.enqueue_dma source(%dma_start3A_425 : memref<512xi32, #tpu.memory_space<hbm>>) target(%dma_start3A_424 : memref<512xi32, #tpu.memory_space<vmem>>) target_semaphore(%dma_start3A_421 : memref<!tpu.dma_semaphore, #tpu.memory_space<semaphore_mem>>)
        } else {
        }
        %dma_wait3A_355 = arith.constant 0 : i32
        %dma_wait3A_356 = arith.constant 0 : i32
        %dma_wait3A_357 = tpu.memref_slice %arg5[%rem3A_298, %dma_wait3A_355, %dma_wait3A_356] : memref<4x2x512xi32, #tpu.memory_space<vmem>> -> memref<1x1x512xi32, #tpu.memory_space<vmem>>
        %dma_wait3A_358 = tpu.memref_squeeze %dma_wait3A_357 : memref<1x1x512xi32, #tpu.memory_space<vmem>> -> memref<512xi32, #tpu.memory_space<vmem>>
        %dma_wait3A_359 = arith.constant 0 : i32
        %dma_wait3A_360 = tpu.memref_slice %arg2[%dma_wait3A_359] : memref<6400000xi32, #tpu.memory_space<hbm>> -> memref<512xi32, #tpu.memory_space<hbm>>
        %dma_wait3A_361 = tpu.memref_slice %arg10[%rem3A_298] : memref<4x!tpu.dma_semaphore, #tpu.memory_space<semaphore_mem>> -> memref<1x!tpu.dma_semaphore, #tpu.memory_space<semaphore_mem>>
        %dma_wait3A_362 = tpu.memref_squeeze %dma_wait3A_361 : memref<1x!tpu.dma_semaphore, #tpu.memory_space<semaphore_mem>> -> memref<!tpu.dma_semaphore, #tpu.memory_space<semaphore_mem>>
        %dma_wait3A_363 = arith.constant 0 : i32
        %dma_wait3A_364 = tpu.memref_slice %arg5[%rem3A_298, %dma_wait3A_355, %dma_wait3A_363] : memref<4x2x512xi32, #tpu.memory_space<vmem>> -> memref<1x1x512xi32, #tpu.memory_space<vmem>>
        %dma_wait3A_365 = tpu.memref_squeeze %dma_wait3A_364 : memref<1x1x512xi32, #tpu.memory_space<vmem>> -> memref<512xi32, #tpu.memory_space<vmem>>
        %dma_wait3A_366 = arith.constant 0 : i32
        %dma_wait3A_367 = tpu.memref_slice %arg2[%dma_wait3A_366] : memref<6400000xi32, #tpu.memory_space<hbm>> -> memref<512xi32, #tpu.memory_space<hbm>>
        tpu.wait_dma2 semaphore(%dma_wait3A_362 : memref<!tpu.dma_semaphore, #tpu.memory_space<semaphore_mem>>) src(%dma_wait3A_367 : memref<512xi32, #tpu.memory_space<hbm>>) dst(%dma_wait3A_365 : memref<512xi32, #tpu.memory_space<vmem>>)
        %dma_wait3A_368 = arith.constant 1 : i32
        %dma_wait3A_369 = arith.constant 0 : i32
        %dma_wait3A_370 = tpu.memref_slice %arg5[%rem3A_298, %dma_wait3A_368, %dma_wait3A_369] : memref<4x2x512xi32, #tpu.memory_space<vmem>> -> memref<1x1x512xi32, #tpu.memory_space<vmem>>
        %dma_wait3A_371 = tpu.memref_squeeze %dma_wait3A_370 : memref<1x1x512xi32, #tpu.memory_space<vmem>> -> memref<512xi32, #tpu.memory_space<vmem>>
        %dma_wait3A_372 = arith.constant 0 : i32
        %dma_wait3A_373 = tpu.memref_slice %arg2[%dma_wait3A_372] : memref<6400000xi32, #tpu.memory_space<hbm>> -> memref<512xi32, #tpu.memory_space<hbm>>
        %dma_wait3A_374 = tpu.memref_slice %arg10[%rem3A_298] : memref<4x!tpu.dma_semaphore, #tpu.memory_space<semaphore_mem>> -> memref<1x!tpu.dma_semaphore, #tpu.memory_space<semaphore_mem>>
        %dma_wait3A_375 = tpu.memref_squeeze %dma_wait3A_374 : memref<1x!tpu.dma_semaphore, #tpu.memory_space<semaphore_mem>> -> memref<!tpu.dma_semaphore, #tpu.memory_space<semaphore_mem>>
        %dma_wait3A_376 = arith.constant 0 : i32
        %dma_wait3A_377 = tpu.memref_slice %arg5[%rem3A_298, %dma_wait3A_368, %dma_wait3A_376] : memref<4x2x512xi32, #tpu.memory_space<vmem>> -> memref<1x1x512xi32, #tpu.memory_space<vmem>>
        %dma_wait3A_378 = tpu.memref_squeeze %dma_wait3A_377 : memref<1x1x512xi32, #tpu.memory_space<vmem>> -> memref<512xi32, #tpu.memory_space<vmem>>
        %dma_wait3A_379 = arith.constant 0 : i32
        %dma_wait3A_380 = tpu.memref_slice %arg2[%dma_wait3A_379] : memref<6400000xi32, #tpu.memory_space<hbm>> -> memref<512xi32, #tpu.memory_space<hbm>>
        tpu.wait_dma2 semaphore(%dma_wait3A_375 : memref<!tpu.dma_semaphore, #tpu.memory_space<semaphore_mem>>) src(%dma_wait3A_380 : memref<512xi32, #tpu.memory_space<hbm>>) dst(%dma_wait3A_378 : memref<512xi32, #tpu.memory_space<vmem>>)
        %dma_start3A_381 = arith.constant 0 : i32
        %dma_start3A_382 = arith.constant 0 : i32
        %dma_start3A_383 = arith.constant 0 : i32
        %dma_start3A_384 = tpu.memref_slice %arg6[%rem3A_308, %dma_start3A_382, %dma_start3A_383] : memref<3x512x16xf32, #tpu.memory_space<vmem>> -> memref<1x512x16xf32, #tpu.memory_space<vmem>>
        %dma_start3A_385 = tpu.memref_squeeze %dma_start3A_384 : memref<1x512x16xf32, #tpu.memory_space<vmem>> -> memref<512x16xf32, #tpu.memory_space<vmem>>
        %dma_start3A_386 = arith.constant 0 : i32
        %dma_start3A_387 = tpu.memref_slice %arg5[%rem3A_298, %dma_start3A_381, %dma_start3A_386] : memref<4x2x512xi32, #tpu.memory_space<vmem>> -> memref<1x1x512xi32, #tpu.memory_space<vmem>>
        %dma_start3A_388 = tpu.memref_squeeze %dma_start3A_387 : memref<1x1x512xi32, #tpu.memory_space<vmem>> -> memref<512xi32, #tpu.memory_space<vmem>>
        %dma_start3A_389 = arith.constant 0 : i32
        %dma_start3A_390 = arith.constant 0 : i32
        %dma_start3A_391 = tpu.memref_slice %arg3[%dma_start3A_389, %dma_start3A_390] : memref<100000x16xf32, #tpu.memory_space<hbm>> -> memref<100000x16xf32, #tpu.memory_space<hbm>>
        %dma_start3A_392 = tpu.memref_slice %arg8[%rem3A_308] : memref<3x!tpu.dma_semaphore, #tpu.memory_space<semaphore_mem>> -> memref<1x!tpu.dma_semaphore, #tpu.memory_space<semaphore_mem>>
        %dma_start3A_393 = tpu.memref_squeeze %dma_start3A_392 : memref<1x!tpu.dma_semaphore, #tpu.memory_space<semaphore_mem>> -> memref<!tpu.dma_semaphore, #tpu.memory_space<semaphore_mem>>
        tpu.enqueue_indirect_dma source(%dma_start3A_391 : memref<100000x16xf32, #tpu.memory_space<hbm>>) target(%dma_start3A_385 : memref<512x16xf32, #tpu.memory_space<vmem>>) offsets(%dma_start3A_388 : memref<512xi32, #tpu.memory_space<vmem>>) semaphore(%dma_start3A_393 : memref<!tpu.dma_semaphore, #tpu.memory_space<semaphore_mem>>)
      } else {
      }
      %dma_wait3A_313 = arith.constant 0 : i32
      %dma_wait3A_314 = arith.constant 0 : i32
      %dma_wait3A_315 = arith.constant 0 : i32
      %dma_wait3A_316 = tpu.memref_slice %arg6[%rem3A_304, %dma_wait3A_314, %dma_wait3A_315] : memref<3x512x16xf32, #tpu.memory_space<vmem>> -> memref<1x512x16xf32, #tpu.memory_space<vmem>>
      %dma_wait3A_317 = tpu.memref_squeeze %dma_wait3A_316 : memref<1x512x16xf32, #tpu.memory_space<vmem>> -> memref<512x16xf32, #tpu.memory_space<vmem>>
      %dma_wait3A_318 = arith.constant 0 : i32
      %dma_wait3A_319 = arith.constant 0 : i32
      %dma_wait3A_320 = tpu.memref_slice %arg4[%dma_wait3A_313, %dma_wait3A_318, %dma_wait3A_319] : memref<2x100352x16xf32, #tpu.memory_space<hbm>> -> memref<1x512x16xf32, #tpu.memory_space<hbm>>
      %dma_wait3A_321 = tpu.memref_squeeze %dma_wait3A_320 : memref<1x512x16xf32, #tpu.memory_space<hbm>> -> memref<512x16xf32, #tpu.memory_space<hbm>>
      %dma_wait3A_322 = tpu.memref_slice %arg8[%rem3A_304] : memref<3x!tpu.dma_semaphore, #tpu.memory_space<semaphore_mem>> -> memref<1x!tpu.dma_semaphore, #tpu.memory_space<semaphore_mem>>
      %dma_wait3A_323 = tpu.memref_squeeze %dma_wait3A_322 : memref<1x!tpu.dma_semaphore, #tpu.memory_space<semaphore_mem>> -> memref<!tpu.dma_semaphore, #tpu.memory_space<semaphore_mem>>
      %dma_wait3A_324 = arith.constant 0 : i32
      %dma_wait3A_325 = arith.constant 0 : i32
      %dma_wait3A_326 = tpu.memref_slice %arg6[%rem3A_304, %dma_wait3A_324, %dma_wait3A_325] : memref<3x512x16xf32, #tpu.memory_space<vmem>> -> memref<1x512x16xf32, #tpu.memory_space<vmem>>
      %dma_wait3A_327 = tpu.memref_squeeze %dma_wait3A_326 : memref<1x512x16xf32, #tpu.memory_space<vmem>> -> memref<512x16xf32, #tpu.memory_space<vmem>>
      %dma_wait3A_328 = arith.constant 0 : i32
      %dma_wait3A_329 = arith.constant 0 : i32
      %dma_wait3A_330 = tpu.memref_slice %arg4[%dma_wait3A_313, %dma_wait3A_328, %dma_wait3A_329] : memref<2x100352x16xf32, #tpu.memory_space<hbm>> -> memref<1x512x16xf32, #tpu.memory_space<hbm>>
      %dma_wait3A_331 = tpu.memref_squeeze %dma_wait3A_330 : memref<1x512x16xf32, #tpu.memory_space<hbm>> -> memref<512x16xf32, #tpu.memory_space<hbm>>
      tpu.wait_dma2 semaphore(%dma_wait3A_323 : memref<!tpu.dma_semaphore, #tpu.memory_space<semaphore_mem>>) src(%dma_wait3A_331 : memref<512x16xf32, #tpu.memory_space<hbm>>) dst(%dma_wait3A_327 : memref<512x16xf32, #tpu.memory_space<vmem>>)
      %dma_start3A_332 = arith.constant 1 : i32
      %dma_start3A_333 = arith.constant 0 : i32
      %dma_start3A_334 = arith.constant 0 : i32
      %dma_start3A_335 = tpu.memref_slice %arg6[%rem3A_304, %dma_start3A_333, %dma_start3A_334] : memref<3x512x16xf32, #tpu.memory_space<vmem>> -> memref<1x512x16xf32, #tpu.memory_space<vmem>>
      %dma_start3A_336 = tpu.memref_squeeze %dma_start3A_335 : memref<1x512x16xf32, #tpu.memory_space<vmem>> -> memref<512x16xf32, #tpu.memory_space<vmem>>
      %dma_start3A_337 = arith.constant 0 : i32
      %dma_start3A_338 = tpu.memref_slice %arg5[%rem3A_294, %dma_start3A_332, %dma_start3A_337] : memref<4x2x512xi32, #tpu.memory_space<vmem>> -> memref<1x1x512xi32, #tpu.memory_space<vmem>>
      %dma_start3A_339 = tpu.memref_squeeze %dma_start3A_338 : memref<1x1x512xi32, #tpu.memory_space<vmem>> -> memref<512xi32, #tpu.memory_space<vmem>>
      %dma_start3A_340 = arith.constant 0 : i32
      %dma_start3A_341 = arith.constant 0 : i32
      %dma_start3A_342 = tpu.memref_slice %arg7[%dma_start3A_340, %dma_start3A_341] : memref<100352x16xf32, #tpu.memory_space<vmem_shared>> -> memref<100352x16xf32, #tpu.memory_space<vmem_shared>>
      %dma_start3A_343 = tpu.memref_slice %arg9[%rem3A_304] : memref<3x!tpu.dma_semaphore, #tpu.memory_space<semaphore_mem>> -> memref<1x!tpu.dma_semaphore, #tpu.memory_space<semaphore_mem>>
      %dma_start3A_344 = tpu.memref_squeeze %dma_start3A_343 : memref<1x!tpu.dma_semaphore, #tpu.memory_space<semaphore_mem>> -> memref<!tpu.dma_semaphore, #tpu.memory_space<semaphore_mem>>
      tpu.enqueue_indirect_dma source(%dma_start3A_336 : memref<512x16xf32, #tpu.memory_space<vmem>>) target(%dma_start3A_342 : memref<100352x16xf32, #tpu.memory_space<vmem_shared>>) offsets(%dma_start3A_339 : memref<512xi32, #tpu.memory_space<vmem>>) semaphore(%dma_start3A_344 : memref<!tpu.dma_semaphore, #tpu.memory_space<semaphore_mem>>) {add = true}
    }
    %dma_wait3A_229 = arith.constant 0 : i32
    %dma_wait3A_230 = arith.constant 0 : i32
    %dma_wait3A_231 = arith.constant 0 : i32
    %dma_wait3A_232 = arith.constant 0 : i32
    %dma_wait3A_233 = arith.constant 0 : i32
    %dma_wait3A_234 = tpu.memref_slice %arg6[%dma_wait3A_230, %dma_wait3A_232, %dma_wait3A_233] : memref<3x512x16xf32, #tpu.memory_space<vmem>> -> memref<1x512x16xf32, #tpu.memory_space<vmem>>
    %dma_wait3A_235 = tpu.memref_squeeze %dma_wait3A_234 : memref<1x512x16xf32, #tpu.memory_space<vmem>> -> memref<512x16xf32, #tpu.memory_space<vmem>>
    %dma_wait3A_236 = arith.constant 0 : i32
    %dma_wait3A_237 = arith.constant 0 : i32
    %dma_wait3A_238 = tpu.memref_slice %arg4[%dma_wait3A_229, %dma_wait3A_236, %dma_wait3A_237] : memref<2x100352x16xf32, #tpu.memory_space<hbm>> -> memref<1x512x16xf32, #tpu.memory_space<hbm>>
    %dma_wait3A_239 = tpu.memref_squeeze %dma_wait3A_238 : memref<1x512x16xf32, #tpu.memory_space<hbm>> -> memref<512x16xf32, #tpu.memory_space<hbm>>
    %dma_wait3A_240 = tpu.memref_slice %arg9[%dma_wait3A_231] : memref<3x!tpu.dma_semaphore, #tpu.memory_space<semaphore_mem>> -> memref<1x!tpu.dma_semaphore, #tpu.memory_space<semaphore_mem>>
    %dma_wait3A_241 = tpu.memref_squeeze %dma_wait3A_240 : memref<1x!tpu.dma_semaphore, #tpu.memory_space<semaphore_mem>> -> memref<!tpu.dma_semaphore, #tpu.memory_space<semaphore_mem>>
    %dma_wait3A_242 = arith.constant 0 : i32
    %dma_wait3A_243 = arith.constant 0 : i32
    %dma_wait3A_244 = tpu.memref_slice %arg6[%dma_wait3A_230, %dma_wait3A_242, %dma_wait3A_243] : memref<3x512x16xf32, #tpu.memory_space<vmem>> -> memref<1x512x16xf32, #tpu.memory_space<vmem>>
    %dma_wait3A_245 = tpu.memref_squeeze %dma_wait3A_244 : memref<1x512x16xf32, #tpu.memory_space<vmem>> -> memref<512x16xf32, #tpu.memory_space<vmem>>
    %dma_wait3A_246 = arith.constant 0 : i32
    %dma_wait3A_247 = arith.constant 0 : i32
    %dma_wait3A_248 = tpu.memref_slice %arg4[%dma_wait3A_229, %dma_wait3A_246, %dma_wait3A_247] : memref<2x100352x16xf32, #tpu.memory_space<hbm>> -> memref<1x512x16xf32, #tpu.memory_space<hbm>>
    %dma_wait3A_249 = tpu.memref_squeeze %dma_wait3A_248 : memref<1x512x16xf32, #tpu.memory_space<hbm>> -> memref<512x16xf32, #tpu.memory_space<hbm>>
    tpu.wait_dma2 semaphore(%dma_wait3A_241 : memref<!tpu.dma_semaphore, #tpu.memory_space<semaphore_mem>>) src(%dma_wait3A_249 : memref<512x16xf32, #tpu.memory_space<hbm>>) dst(%dma_wait3A_245 : memref<512x16xf32, #tpu.memory_space<vmem>>)
    %dma_wait3A_250 = arith.constant 0 : i32
    %dma_wait3A_251 = arith.constant 1 : i32
    %dma_wait3A_252 = arith.constant 1 : i32
    %dma_wait3A_253 = arith.constant 0 : i32
    %dma_wait3A_254 = arith.constant 0 : i32
    %dma_wait3A_255 = tpu.memref_slice %arg6[%dma_wait3A_251, %dma_wait3A_253, %dma_wait3A_254] : memref<3x512x16xf32, #tpu.memory_space<vmem>> -> memref<1x512x16xf32, #tpu.memory_space<vmem>>
    %dma_wait3A_256 = tpu.memref_squeeze %dma_wait3A_255 : memref<1x512x16xf32, #tpu.memory_space<vmem>> -> memref<512x16xf32, #tpu.memory_space<vmem>>
    %dma_wait3A_257 = arith.constant 0 : i32
    %dma_wait3A_258 = arith.constant 0 : i32
    %dma_wait3A_259 = tpu.memref_slice %arg4[%dma_wait3A_250, %dma_wait3A_257, %dma_wait3A_258] : memref<2x100352x16xf32, #tpu.memory_space<hbm>> -> memref<1x512x16xf32, #tpu.memory_space<hbm>>
    %dma_wait3A_260 = tpu.memref_squeeze %dma_wait3A_259 : memref<1x512x16xf32, #tpu.memory_space<hbm>> -> memref<512x16xf32, #tpu.memory_space<hbm>>
    %dma_wait3A_261 = tpu.memref_slice %arg9[%dma_wait3A_252] : memref<3x!tpu.dma_semaphore, #tpu.memory_space<semaphore_mem>> -> memref<1x!tpu.dma_semaphore, #tpu.memory_space<semaphore_mem>>
    %dma_wait3A_262 = tpu.memref_squeeze %dma_wait3A_261 : memref<1x!tpu.dma_semaphore, #tpu.memory_space<semaphore_mem>> -> memref<!tpu.dma_semaphore, #tpu.memory_space<semaphore_mem>>
    %dma_wait3A_263 = arith.constant 0 : i32
    %dma_wait3A_264 = arith.constant 0 : i32
    %dma_wait3A_265 = tpu.memref_slice %arg6[%dma_wait3A_251, %dma_wait3A_263, %dma_wait3A_264] : memref<3x512x16xf32, #tpu.memory_space<vmem>> -> memref<1x512x16xf32, #tpu.memory_space<vmem>>
    %dma_wait3A_266 = tpu.memref_squeeze %dma_wait3A_265 : memref<1x512x16xf32, #tpu.memory_space<vmem>> -> memref<512x16xf32, #tpu.memory_space<vmem>>
    %dma_wait3A_267 = arith.constant 0 : i32
    %dma_wait3A_268 = arith.constant 0 : i32
    %dma_wait3A_269 = tpu.memref_slice %arg4[%dma_wait3A_250, %dma_wait3A_267, %dma_wait3A_268] : memref<2x100352x16xf32, #tpu.memory_space<hbm>> -> memref<1x512x16xf32, #tpu.memory_space<hbm>>
    %dma_wait3A_270 = tpu.memref_squeeze %dma_wait3A_269 : memref<1x512x16xf32, #tpu.memory_space<hbm>> -> memref<512x16xf32, #tpu.memory_space<hbm>>
    tpu.wait_dma2 semaphore(%dma_wait3A_262 : memref<!tpu.dma_semaphore, #tpu.memory_space<semaphore_mem>>) src(%dma_wait3A_270 : memref<512x16xf32, #tpu.memory_space<hbm>>) dst(%dma_wait3A_266 : memref<512x16xf32, #tpu.memory_space<vmem>>)
    %dma_wait3A_271 = arith.constant 0 : i32
    %dma_wait3A_272 = arith.constant 2 : i32
    %dma_wait3A_273 = arith.constant 2 : i32
    %dma_wait3A_274 = arith.constant 0 : i32
    %dma_wait3A_275 = arith.constant 0 : i32
    %dma_wait3A_276 = tpu.memref_slice %arg6[%dma_wait3A_272, %dma_wait3A_274, %dma_wait3A_275] : memref<3x512x16xf32, #tpu.memory_space<vmem>> -> memref<1x512x16xf32, #tpu.memory_space<vmem>>
    %dma_wait3A_277 = tpu.memref_squeeze %dma_wait3A_276 : memref<1x512x16xf32, #tpu.memory_space<vmem>> -> memref<512x16xf32, #tpu.memory_space<vmem>>
    %dma_wait3A_278 = arith.constant 0 : i32
    %dma_wait3A_279 = arith.constant 0 : i32
    %dma_wait3A_280 = tpu.memref_slice %arg4[%dma_wait3A_271, %dma_wait3A_278, %dma_wait3A_279] : memref<2x100352x16xf32, #tpu.memory_space<hbm>> -> memref<1x512x16xf32, #tpu.memory_space<hbm>>
    %dma_wait3A_281 = tpu.memref_squeeze %dma_wait3A_280 : memref<1x512x16xf32, #tpu.memory_space<hbm>> -> memref<512x16xf32, #tpu.memory_space<hbm>>
    %dma_wait3A_282 = tpu.memref_slice %arg9[%dma_wait3A_273] : memref<3x!tpu.dma_semaphore, #tpu.memory_space<semaphore_mem>> -> memref<1x!tpu.dma_semaphore, #tpu.memory_space<semaphore_mem>>
    %dma_wait3A_283 = tpu.memref_squeeze %dma_wait3A_282 : memref<1x!tpu.dma_semaphore, #tpu.memory_space<semaphore_mem>> -> memref<!tpu.dma_semaphore, #tpu.memory_space<semaphore_mem>>
    %dma_wait3A_284 = arith.constant 0 : i32
    %dma_wait3A_285 = arith.constant 0 : i32
    %dma_wait3A_286 = tpu.memref_slice %arg6[%dma_wait3A_272, %dma_wait3A_284, %dma_wait3A_285] : memref<3x512x16xf32, #tpu.memory_space<vmem>> -> memref<1x512x16xf32, #tpu.memory_space<vmem>>
    %dma_wait3A_287 = tpu.memref_squeeze %dma_wait3A_286 : memref<1x512x16xf32, #tpu.memory_space<vmem>> -> memref<512x16xf32, #tpu.memory_space<vmem>>
    %dma_wait3A_288 = arith.constant 0 : i32
    %dma_wait3A_289 = arith.constant 0 : i32
    %dma_wait3A_290 = tpu.memref_slice %arg4[%dma_wait3A_271, %dma_wait3A_288, %dma_wait3A_289] : memref<2x100352x16xf32, #tpu.memory_space<hbm>> -> memref<1x512x16xf32, #tpu.memory_space<hbm>>
    %dma_wait3A_291 = tpu.memref_squeeze %dma_wait3A_290 : memref<1x512x16xf32, #tpu.memory_space<hbm>> -> memref<512x16xf32, #tpu.memory_space<hbm>>
    tpu.wait_dma2 semaphore(%dma_wait3A_283 : memref<!tpu.dma_semaphore, #tpu.memory_space<semaphore_mem>>) src(%dma_wait3A_291 : memref<512x16xf32, #tpu.memory_space<hbm>>) dst(%dma_wait3A_287 : memref<512x16xf32, #tpu.memory_space<vmem>>)
    %barrier3A_292 = arith.constant 0 : index
    tpu.barrier barrier_id(%barrier3A_292)
    "tpu.region"() ({
      %run_scoped3A = tpu.sem_alloc : memref<!tpu.dma_semaphore, #tpu.memory_space<semaphore_mem>>
      %dma_start3A_293 = arith.constant 0 : i32
      %dma_start3A_294 = tpu.memref_slice %arg4[%arg0, %mul3A_7, %dma_start3A_293] : memref<2x100352x16xf32, #tpu.memory_space<hbm>> -> memref<1x6272x16xf32, #tpu.memory_space<hbm>>
      %dma_start3A_295 = tpu.memref_squeeze %dma_start3A_294 : memref<1x6272x16xf32, #tpu.memory_space<hbm>> -> memref<6272x16xf32, #tpu.memory_space<hbm>>
      %dma_start3A_296 = arith.constant 0 : i32
      %dma_start3A_297 = tpu.memref_slice %arg7[%mul3A_7, %dma_start3A_296] : memref<100352x16xf32, #tpu.memory_space<vmem_shared>> -> memref<6272x16xf32, #tpu.memory_space<vmem_shared>>
      tpu.enqueue_dma source(%dma_start3A_297 : memref<6272x16xf32, #tpu.memory_space<vmem_shared>>) target(%dma_start3A_295 : memref<6272x16xf32, #tpu.memory_space<hbm>>) target_semaphore(%run_scoped3A : memref<!tpu.dma_semaphore, #tpu.memory_space<semaphore_mem>>)
      %dma_wait3A_298 = arith.constant 0 : i32
      %dma_wait3A_299 = tpu.memref_slice %arg4[%arg0, %mul3A_7, %dma_wait3A_298] : memref<2x100352x16xf32, #tpu.memory_space<hbm>> -> memref<1x6272x16xf32, #tpu.memory_space<hbm>>
      %dma_wait3A_300 = tpu.memref_squeeze %dma_wait3A_299 : memref<1x6272x16xf32, #tpu.memory_space<hbm>> -> memref<6272x16xf32, #tpu.memory_space<hbm>>
      %dma_wait3A_301 = arith.constant 0 : i32
      %dma_wait3A_302 = tpu.memref_slice %arg7[%mul3A_7, %dma_wait3A_301] : memref<100352x16xf32, #tpu.memory_space<vmem_shared>> -> memref<6272x16xf32, #tpu.memory_space<vmem_shared>>
      tpu.wait_dma2 semaphore(%run_scoped3A : memref<!tpu.dma_semaphore, #tpu.memory_space<semaphore_mem>>) src(%dma_wait3A_302 : memref<6272x16xf32, #tpu.memory_space<vmem_shared>>) dst(%dma_wait3A_300 : memref<6272x16xf32, #tpu.memory_space<hbm>>)
      tpu.yield
    }) : () -> ()
    return
  }
}

#map = affine_map<(d0, d1) -> (0)>
module attributes {stable_mosaic.version = 14 : i64} {
  func.func @_sc_deg_body(%arg0: i32, %arg1: i32, %arg2: memref<6400000xi32, #tpu.memory_space<hbm>>, %arg3: memref<200704xf32, #tpu.memory_space<hbm>>, %arg4: memref<3x1280xi32, #tpu.memory_space<vmem>>, %arg5: memref<1280xf32, #tpu.memory_space<vmem>>, %arg6: memref<6272xf32, #tpu.memory_space<vmem>>, %arg7: memref<100352xf32, #tpu.memory_space<vmem_shared>>, %arg8: memref<3x!tpu.dma_semaphore, #tpu.memory_space<semaphore_mem>>, %arg9: memref<2x!tpu.dma_semaphore, #tpu.memory_space<semaphore_mem>>) attributes {dimension_semantics = [#tpu.dimension_semantics<core_parallel>, #tpu.dimension_semantics<subcore_parallel>], iteration_bounds = array<i64: 2, 16>, scalar_prefetch = 0 : i64, scratch_operands = 6 : i64, tpu.core_type = #tpu.core_type<sc_vector_subcore>, window_params = [{transform_indices = #map}, {transform_indices = #map}]} {
    %mul3A = arith.constant 16 : i32
    %mul3A_0 = arith.muli %arg0, %mul3A : i32
    %add3A = arith.addi %mul3A_0, %arg1 : i32
    %scan3A = arith.constant 0 : i32
    %scan3A_1 = arith.constant 0 : i32
    %scan3A_2 = arith.constant 392 : i32
    %scan3A_3 = arith.addi %scan3A_1, %scan3A_2 : i32
    %scan3A_4 = arith.constant 1 : i32
    scf.for %scan3A_107 = %scan3A_1 to %scan3A_3 step %scan3A_4  : i32 {
      %broadcast_in_dim3A = arith.constant 0.000000e+00 : f32
      %broadcast_in_dim3A_108 = vector.broadcast %broadcast_in_dim3A : f32 to vector<16xf32>
      %mul3A_109 = arith.constant 16 : i32
      %mul3A_110 = arith.muli %scan3A_107, %mul3A_109 : i32
      %swap3A = arith.index_cast %mul3A_110 : i32 to index
      %swap3A_111 = tpu.vector_load %arg6[%swap3A] {strides = array<i32>} : memref<6272xf32, #tpu.memory_space<vmem>>, vector<16xf32>,
      %swap3A_112 = vector.shape_cast %swap3A_111 : vector<16xf32> to vector<16xf32>
      %swap3A_113 = vector.shape_cast %broadcast_in_dim3A_108 : vector<16xf32> to vector<16xf32>
      tpu.vector_store %arg6[%swap3A], %swap3A_113 {strides = array<i32>} : memref<6272xf32, #tpu.memory_space<vmem>>, vector<16xf32>,
    }
    %scan3A_5 = arith.constant 392 : i32
    %mul3A_6 = arith.constant 6272 : i32
    %mul3A_7 = arith.muli %arg1, %mul3A_6 : i32
    "tpu.region"() ({
      %run_scoped3A = tpu.sem_alloc : memref<!tpu.dma_semaphore, #tpu.memory_space<semaphore_mem>>
      %dma_start3A_107 = tpu.memref_slice %arg7[%mul3A_7] : memref<100352xf32, #tpu.memory_space<vmem_shared>> -> memref<6272xf32, #tpu.memory_space<vmem_shared>>
      %dma_start3A_108 = tpu.memref_slice %arg7[%mul3A_7] : memref<100352xf32, #tpu.memory_space<vmem_shared>> -> memref<6272xf32, #tpu.memory_space<vmem_shared>>
      tpu.enqueue_dma source(%arg6 : memref<6272xf32, #tpu.memory_space<vmem>>) target(%dma_start3A_108 : memref<6272xf32, #tpu.memory_space<vmem_shared>>) target_semaphore(%run_scoped3A : memref<!tpu.dma_semaphore, #tpu.memory_space<semaphore_mem>>)
      %dma_wait3A_109 = tpu.memref_slice %arg7[%mul3A_7] : memref<100352xf32, #tpu.memory_space<vmem_shared>> -> memref<6272xf32, #tpu.memory_space<vmem_shared>>
      %dma_wait3A_110 = tpu.memref_slice %arg7[%mul3A_7] : memref<100352xf32, #tpu.memory_space<vmem_shared>> -> memref<6272xf32, #tpu.memory_space<vmem_shared>>
      tpu.wait_dma2 semaphore(%run_scoped3A : memref<!tpu.dma_semaphore, #tpu.memory_space<semaphore_mem>>) src(%arg6 : memref<6272xf32, #tpu.memory_space<vmem>>) dst(%dma_wait3A_110 : memref<6272xf32, #tpu.memory_space<vmem_shared>>)
      tpu.yield
    }) : () -> ()
    %scan3A_8 = arith.constant 0 : i32
    %scan3A_9 = arith.constant 0 : i32
    %scan3A_10 = arith.constant 80 : i32
    %scan3A_11 = arith.addi %scan3A_9, %scan3A_10 : i32
    %scan3A_12 = arith.constant 1 : i32
    scf.for %scan3A_107 = %scan3A_9 to %scan3A_11 step %scan3A_12  : i32 {
      %broadcast_in_dim3A = arith.constant 1.000000e+00 : f32
      %broadcast_in_dim3A_108 = vector.broadcast %broadcast_in_dim3A : f32 to vector<16xf32>
      %mul3A_109 = arith.constant 16 : i32
      %mul3A_110 = arith.muli %scan3A_107, %mul3A_109 : i32
      %swap3A = arith.index_cast %mul3A_110 : i32 to index
      %swap3A_111 = tpu.vector_load %arg5[%swap3A] {strides = array<i32>} : memref<1280xf32, #tpu.memory_space<vmem>>, vector<16xf32>,
      %swap3A_112 = vector.shape_cast %swap3A_111 : vector<16xf32> to vector<16xf32>
      %swap3A_113 = vector.shape_cast %broadcast_in_dim3A_108 : vector<16xf32> to vector<16xf32>
      tpu.vector_store %arg5[%swap3A], %swap3A_113 {strides = array<i32>} : memref<1280xf32, #tpu.memory_space<vmem>>, vector<16xf32>,
    }
    %scan3A_13 = arith.constant 80 : i32
    %barrier3A = arith.constant 0 : index
    tpu.barrier barrier_id(%barrier3A)
    %mul3A_14 = arith.constant 78 : i32
    %mul3A_15 = arith.muli %add3A, %mul3A_14 : i32
    %min3A = arith.constant 4 : i32
    %min3A_16 = arith.minsi %add3A, %min3A : i32
    %add3A_17 = arith.addi %mul3A_15, %min3A_16 : i32
    %lt3A = arith.constant 4 : i32
    %lt3A_18 = arith.cmpi slt, %add3A, %lt3A : i32
    %jit3A = arith.constant 1 : i32
    %jit3A_19 = arith.constant 0 : i32
    %select_n3A = arith.select %lt3A_18, %jit3A, %jit3A_19 : i32
    %add3A_20 = arith.constant 78 : i32
    %add3A_21 = arith.addi %add3A_20, %select_n3A : i32
    %add3A_22 = arith.constant 0 : i32
    %add3A_23 = arith.addi %add3A_17, %add3A_22 : i32
    %mul3A_24 = arith.constant 1280 : i32
    %mul3A_25 = arith.muli %add3A_23, %mul3A_24 : i32
    %add3A_26 = arith.constant 3200000 : i32
    %add3A_27 = arith.addi %add3A_26, %mul3A_25 : i32
    %dma_start3A = arith.constant 0 : i32
    %dma_start3A_28 = arith.constant 0 : i32
    %dma_start3A_29 = arith.constant 0 : i32
    %dma_start3A_30 = tpu.memref_slice %arg4[%dma_start3A, %dma_start3A_29] : memref<3x1280xi32, #tpu.memory_space<vmem>> -> memref<1x1280xi32, #tpu.memory_space<vmem>>
    %dma_start3A_31 = tpu.memref_squeeze %dma_start3A_30 : memref<1x1280xi32, #tpu.memory_space<vmem>> -> memref<1280xi32, #tpu.memory_space<vmem>>
    %dma_start3A_32 = tpu.memref_slice %arg2[%add3A_27] : memref<6400000xi32, #tpu.memory_space<hbm>> -> memref<1280xi32, #tpu.memory_space<hbm>>
    %dma_start3A_33 = tpu.memref_slice %arg8[%dma_start3A_28] : memref<3x!tpu.dma_semaphore, #tpu.memory_space<semaphore_mem>> -> memref<1x!tpu.dma_semaphore, #tpu.memory_space<semaphore_mem>>
    %dma_start3A_34 = tpu.memref_squeeze %dma_start3A_33 : memref<1x!tpu.dma_semaphore, #tpu.memory_space<semaphore_mem>> -> memref<!tpu.dma_semaphore, #tpu.memory_space<semaphore_mem>>
    %dma_start3A_35 = arith.constant 0 : i32
    %dma_start3A_36 = tpu.memref_slice %arg4[%dma_start3A, %dma_start3A_35] : memref<3x1280xi32, #tpu.memory_space<vmem>> -> memref<1x1280xi32, #tpu.memory_space<vmem>>
    %dma_start3A_37 = tpu.memref_squeeze %dma_start3A_36 : memref<1x1280xi32, #tpu.memory_space<vmem>> -> memref<1280xi32, #tpu.memory_space<vmem>>
    %dma_start3A_38 = tpu.memref_slice %arg2[%add3A_27] : memref<6400000xi32, #tpu.memory_space<hbm>> -> memref<1280xi32, #tpu.memory_space<hbm>>
    tpu.enqueue_dma source(%dma_start3A_38 : memref<1280xi32, #tpu.memory_space<hbm>>) target(%dma_start3A_37 : memref<1280xi32, #tpu.memory_space<vmem>>) target_semaphore(%dma_start3A_34 : memref<!tpu.dma_semaphore, #tpu.memory_space<semaphore_mem>>)
    %add3A_39 = arith.constant 1 : i32
    %add3A_40 = arith.addi %add3A_17, %add3A_39 : i32
    %mul3A_41 = arith.constant 1280 : i32
    %mul3A_42 = arith.muli %add3A_40, %mul3A_41 : i32
    %add3A_43 = arith.constant 3200000 : i32
    %add3A_44 = arith.addi %add3A_43, %mul3A_42 : i32
    %dma_start3A_45 = arith.constant 1 : i32
    %dma_start3A_46 = arith.constant 1 : i32
    %dma_start3A_47 = arith.constant 0 : i32
    %dma_start3A_48 = tpu.memref_slice %arg4[%dma_start3A_45, %dma_start3A_47] : memref<3x1280xi32, #tpu.memory_space<vmem>> -> memref<1x1280xi32, #tpu.memory_space<vmem>>
    %dma_start3A_49 = tpu.memref_squeeze %dma_start3A_48 : memref<1x1280xi32, #tpu.memory_space<vmem>> -> memref<1280xi32, #tpu.memory_space<vmem>>
    %dma_start3A_50 = tpu.memref_slice %arg2[%add3A_44] : memref<6400000xi32, #tpu.memory_space<hbm>> -> memref<1280xi32, #tpu.memory_space<hbm>>
    %dma_start3A_51 = tpu.memref_slice %arg8[%dma_start3A_46] : memref<3x!tpu.dma_semaphore, #tpu.memory_space<semaphore_mem>> -> memref<1x!tpu.dma_semaphore, #tpu.memory_space<semaphore_mem>>
    %dma_start3A_52 = tpu.memref_squeeze %dma_start3A_51 : memref<1x!tpu.dma_semaphore, #tpu.memory_space<semaphore_mem>> -> memref<!tpu.dma_semaphore, #tpu.memory_space<semaphore_mem>>
    %dma_start3A_53 = arith.constant 0 : i32
    %dma_start3A_54 = tpu.memref_slice %arg4[%dma_start3A_45, %dma_start3A_53] : memref<3x1280xi32, #tpu.memory_space<vmem>> -> memref<1x1280xi32, #tpu.memory_space<vmem>>
    %dma_start3A_55 = tpu.memref_squeeze %dma_start3A_54 : memref<1x1280xi32, #tpu.memory_space<vmem>> -> memref<1280xi32, #tpu.memory_space<vmem>>
    %dma_start3A_56 = tpu.memref_slice %arg2[%add3A_44] : memref<6400000xi32, #tpu.memory_space<hbm>> -> memref<1280xi32, #tpu.memory_space<hbm>>
    tpu.enqueue_dma source(%dma_start3A_56 : memref<1280xi32, #tpu.memory_space<hbm>>) target(%dma_start3A_55 : memref<1280xi32, #tpu.memory_space<vmem>>) target_semaphore(%dma_start3A_52 : memref<!tpu.dma_semaphore, #tpu.memory_space<semaphore_mem>>)
    %while3A = arith.constant 0 : i32
    %while3A_57 = arith.constant 0 : i32
    %while3A_58 = arith.subi %add3A_21, %while3A_57 : i32
    %while3A_59 = arith.addi %while3A_57, %while3A_58 : i32
    %while3A_60 = arith.constant 1 : i32
    %while3A_61 = arith.divsi %while3A_58, %while3A_60 : i32
    %while3A_62 = arith.muli %while3A_61, %while3A_60 : i32
    %while3A_63 = arith.addi %while3A_57, %while3A_62 : i32
    %while3A_64 = arith.constant 1 : i32
    scf.for %while3A_107 = %while3A_57 to %while3A_63 step %while3A_64  : i32 {
      %rem3A_108 = arith.constant 3 : i32
      %rem3A_109 = arith.remsi %while3A_107, %rem3A_108 : i32
      %add3A_110 = arith.constant 2 : i32
      %add3A_111 = arith.addi %while3A_107, %add3A_110 : i32
      %rem3A_112 = arith.constant 3 : i32
      %rem3A_113 = arith.remsi %add3A_111, %rem3A_112 : i32
      %add3A_114 = arith.constant 2 : i32
      %add3A_115 = arith.addi %while3A_107, %add3A_114 : i32
      %lt3A_116 = arith.cmpi slt, %add3A_115, %add3A_21 : i32
      %convert_element_type3A = arith.extui %lt3A_116 : i1 to i32
      %cond3A = arith.constant 0 : i32
      %cond3A_117 = arith.cmpi ne, %convert_element_type3A, %cond3A : i32
      scf.if %cond3A_117 {
        %ge3A = arith.constant 1 : i32
        %ge3A_139 = arith.cmpi sge, %while3A_107, %ge3A : i32
        %convert_element_type3A_140 = arith.extui %ge3A_139 : i1 to i32
        %cond3A_141 = arith.constant 0 : i32
        %cond3A_142 = arith.cmpi ne, %convert_element_type3A_140, %cond3A_141 : i32
        scf.if %cond3A_142 {
          %sub3A_160 = arith.constant 1 : i32
          %sub3A_161 = arith.subi %while3A_107, %sub3A_160 : i32
          %rem3A_162 = arith.constant 2 : i32
          %rem3A_163 = arith.remsi %sub3A_161, %rem3A_162 : i32
          %dma_wait3A_164 = arith.constant 0 : i32
          %dma_wait3A_165 = tpu.memref_slice %arg6[%dma_wait3A_164] : memref<6272xf32, #tpu.memory_space<vmem>> -> memref<1280xf32, #tpu.memory_space<vmem>>
          %dma_wait3A_166 = arith.constant 0 : i32
          %dma_wait3A_167 = tpu.memref_slice %arg3[%dma_wait3A_166] : memref<200704xf32, #tpu.memory_space<hbm>> -> memref<1280xf32, #tpu.memory_space<hbm>>
          %dma_wait3A_168 = tpu.memref_slice %arg9[%rem3A_163] : memref<2x!tpu.dma_semaphore, #tpu.memory_space<semaphore_mem>> -> memref<1x!tpu.dma_semaphore, #tpu.memory_space<semaphore_mem>>
          %dma_wait3A_169 = tpu.memref_squeeze %dma_wait3A_168 : memref<1x!tpu.dma_semaphore, #tpu.memory_space<semaphore_mem>> -> memref<!tpu.dma_semaphore, #tpu.memory_space<semaphore_mem>>
          %dma_wait3A_170 = arith.constant 0 : i32
          %dma_wait3A_171 = tpu.memref_slice %arg6[%dma_wait3A_170] : memref<6272xf32, #tpu.memory_space<vmem>> -> memref<1280xf32, #tpu.memory_space<vmem>>
          %dma_wait3A_172 = arith.constant 0 : i32
          %dma_wait3A_173 = tpu.memref_slice %arg3[%dma_wait3A_172] : memref<200704xf32, #tpu.memory_space<hbm>> -> memref<1280xf32, #tpu.memory_space<hbm>>
          tpu.wait_dma2 semaphore(%dma_wait3A_169 : memref<!tpu.dma_semaphore, #tpu.memory_space<semaphore_mem>>) src(%dma_wait3A_173 : memref<1280xf32, #tpu.memory_space<hbm>>) dst(%dma_wait3A_171 : memref<1280xf32, #tpu.memory_space<vmem>>)
        } else {
        }
        %add3A_143 = arith.constant 2 : i32
        %add3A_144 = arith.addi %while3A_107, %add3A_143 : i32
        %add3A_145 = arith.addi %add3A_17, %add3A_144 : i32
        %mul3A_146 = arith.constant 1280 : i32
        %mul3A_147 = arith.muli %add3A_145, %mul3A_146 : i32
        %add3A_148 = arith.constant 3200000 : i32
        %add3A_149 = arith.addi %add3A_148, %mul3A_147 : i32
        %dma_start3A_150 = arith.constant 0 : i32
        %dma_start3A_151 = tpu.memref_slice %arg4[%rem3A_113, %dma_start3A_150] : memref<3x1280xi32, #tpu.memory_space<vmem>> -> memref<1x1280xi32, #tpu.memory_space<vmem>>
        %dma_start3A_152 = tpu.memref_squeeze %dma_start3A_151 : memref<1x1280xi32, #tpu.memory_space<vmem>> -> memref<1280xi32, #tpu.memory_space<vmem>>
        %dma_start3A_153 = tpu.memref_slice %arg2[%add3A_149] : memref<6400000xi32, #tpu.memory_space<hbm>> -> memref<1280xi32, #tpu.memory_space<hbm>>
        %dma_start3A_154 = tpu.memref_slice %arg8[%rem3A_113] : memref<3x!tpu.dma_semaphore, #tpu.memory_space<semaphore_mem>> -> memref<1x!tpu.dma_semaphore, #tpu.memory_space<semaphore_mem>>
        %dma_start3A_155 = tpu.memref_squeeze %dma_start3A_154 : memref<1x!tpu.dma_semaphore, #tpu.memory_space<semaphore_mem>> -> memref<!tpu.dma_semaphore, #tpu.memory_space<semaphore_mem>>
        %dma_start3A_156 = arith.constant 0 : i32
        %dma_start3A_157 = tpu.memref_slice %arg4[%rem3A_113, %dma_start3A_156] : memref<3x1280xi32, #tpu.memory_space<vmem>> -> memref<1x1280xi32, #tpu.memory_space<vmem>>
        %dma_start3A_158 = tpu.memref_squeeze %dma_start3A_157 : memref<1x1280xi32, #tpu.memory_space<vmem>> -> memref<1280xi32, #tpu.memory_space<vmem>>
        %dma_start3A_159 = tpu.memref_slice %arg2[%add3A_149] : memref<6400000xi32, #tpu.memory_space<hbm>> -> memref<1280xi32, #tpu.memory_space<hbm>>
        tpu.enqueue_dma source(%dma_start3A_159 : memref<1280xi32, #tpu.memory_space<hbm>>) target(%dma_start3A_158 : memref<1280xi32, #tpu.memory_space<vmem>>) target_semaphore(%dma_start3A_155 : memref<!tpu.dma_semaphore, #tpu.memory_space<semaphore_mem>>)
      } else {
      }
      %dma_wait3A_118 = arith.constant 0 : i32
      %dma_wait3A_119 = tpu.memref_slice %arg4[%rem3A_109, %dma_wait3A_118] : memref<3x1280xi32, #tpu.memory_space<vmem>> -> memref<1x1280xi32, #tpu.memory_space<vmem>>
      %dma_wait3A_120 = tpu.memref_squeeze %dma_wait3A_119 : memref<1x1280xi32, #tpu.memory_space<vmem>> -> memref<1280xi32, #tpu.memory_space<vmem>>
      %dma_wait3A_121 = arith.constant 0 : i32
      %dma_wait3A_122 = tpu.memref_slice %arg2[%dma_wait3A_121] : memref<6400000xi32, #tpu.memory_space<hbm>> -> memref<1280xi32, #tpu.memory_space<hbm>>
      %dma_wait3A_123 = tpu.memref_slice %arg8[%rem3A_109] : memref<3x!tpu.dma_semaphore, #tpu.memory_space<semaphore_mem>> -> memref<1x!tpu.dma_semaphore, #tpu.memory_space<semaphore_mem>>
      %dma_wait3A_124 = tpu.memref_squeeze %dma_wait3A_123 : memref<1x!tpu.dma_semaphore, #tpu.memory_space<semaphore_mem>> -> memref<!tpu.dma_semaphore, #tpu.memory_space<semaphore_mem>>
      %dma_wait3A_125 = arith.constant 0 : i32
      %dma_wait3A_126 = tpu.memref_slice %arg4[%rem3A_109, %dma_wait3A_125] : memref<3x1280xi32, #tpu.memory_space<vmem>> -> memref<1x1280xi32, #tpu.memory_space<vmem>>
      %dma_wait3A_127 = tpu.memref_squeeze %dma_wait3A_126 : memref<1x1280xi32, #tpu.memory_space<vmem>> -> memref<1280xi32, #tpu.memory_space<vmem>>
      %dma_wait3A_128 = arith.constant 0 : i32
      %dma_wait3A_129 = tpu.memref_slice %arg2[%dma_wait3A_128] : memref<6400000xi32, #tpu.memory_space<hbm>> -> memref<1280xi32, #tpu.memory_space<hbm>>
      tpu.wait_dma2 semaphore(%dma_wait3A_124 : memref<!tpu.dma_semaphore, #tpu.memory_space<semaphore_mem>>) src(%dma_wait3A_129 : memref<1280xi32, #tpu.memory_space<hbm>>) dst(%dma_wait3A_127 : memref<1280xi32, #tpu.memory_space<vmem>>)
      %rem3A_130 = arith.constant 2 : i32
      %rem3A_131 = arith.remsi %while3A_107, %rem3A_130 : i32
      %dma_start3A_132 = arith.constant 0 : i32
      %dma_start3A_133 = tpu.memref_slice %arg4[%rem3A_109, %dma_start3A_132] : memref<3x1280xi32, #tpu.memory_space<vmem>> -> memref<1x1280xi32, #tpu.memory_space<vmem>>
      %dma_start3A_134 = tpu.memref_squeeze %dma_start3A_133 : memref<1x1280xi32, #tpu.memory_space<vmem>> -> memref<1280xi32, #tpu.memory_space<vmem>>
      %dma_start3A_135 = arith.constant 0 : i32
      %dma_start3A_136 = tpu.memref_slice %arg7[%dma_start3A_135] : memref<100352xf32, #tpu.memory_space<vmem_shared>> -> memref<100352xf32, #tpu.memory_space<vmem_shared>>
      %dma_start3A_137 = tpu.memref_slice %arg9[%rem3A_131] : memref<2x!tpu.dma_semaphore, #tpu.memory_space<semaphore_mem>> -> memref<1x!tpu.dma_semaphore, #tpu.memory_space<semaphore_mem>>
      %dma_start3A_138 = tpu.memref_squeeze %dma_start3A_137 : memref<1x!tpu.dma_semaphore, #tpu.memory_space<semaphore_mem>> -> memref<!tpu.dma_semaphore, #tpu.memory_space<semaphore_mem>>
      tpu.enqueue_indirect_dma source(%arg5 : memref<1280xf32, #tpu.memory_space<vmem>>) target(%dma_start3A_136 : memref<100352xf32, #tpu.memory_space<vmem_shared>>) offsets(%dma_start3A_134 : memref<1280xi32, #tpu.memory_space<vmem>>) semaphore(%dma_start3A_138 : memref<!tpu.dma_semaphore, #tpu.memory_space<semaphore_mem>>) {add = true}
    }
    %while3A_65 = arith.constant 1 : i32
    scf.for %while3A_107 = %while3A_63 to %while3A_59 step %while3A_65  : i32 {
      %rem3A_108 = arith.constant 3 : i32
      %rem3A_109 = arith.remsi %while3A_107, %rem3A_108 : i32
      %add3A_110 = arith.constant 2 : i32
      %add3A_111 = arith.addi %while3A_107, %add3A_110 : i32
      %rem3A_112 = arith.constant 3 : i32
      %rem3A_113 = arith.remsi %add3A_111, %rem3A_112 : i32
      %add3A_114 = arith.constant 2 : i32
      %add3A_115 = arith.addi %while3A_107, %add3A_114 : i32
      %lt3A_116 = arith.cmpi slt, %add3A_115, %add3A_21 : i32
      %convert_element_type3A = arith.extui %lt3A_116 : i1 to i32
      %cond3A = arith.constant 0 : i32
      %cond3A_117 = arith.cmpi ne, %convert_element_type3A, %cond3A : i32
      scf.if %cond3A_117 {
        %ge3A = arith.constant 1 : i32
        %ge3A_139 = arith.cmpi sge, %while3A_107, %ge3A : i32
        %convert_element_type3A_140 = arith.extui %ge3A_139 : i1 to i32
        %cond3A_141 = arith.constant 0 : i32
        %cond3A_142 = arith.cmpi ne, %convert_element_type3A_140, %cond3A_141 : i32
        scf.if %cond3A_142 {
          %sub3A_160 = arith.constant 1 : i32
          %sub3A_161 = arith.subi %while3A_107, %sub3A_160 : i32
          %rem3A_162 = arith.constant 2 : i32
          %rem3A_163 = arith.remsi %sub3A_161, %rem3A_162 : i32
          %dma_wait3A_164 = arith.constant 0 : i32
          %dma_wait3A_165 = tpu.memref_slice %arg6[%dma_wait3A_164] : memref<6272xf32, #tpu.memory_space<vmem>> -> memref<1280xf32, #tpu.memory_space<vmem>>
          %dma_wait3A_166 = arith.constant 0 : i32
          %dma_wait3A_167 = tpu.memref_slice %arg3[%dma_wait3A_166] : memref<200704xf32, #tpu.memory_space<hbm>> -> memref<1280xf32, #tpu.memory_space<hbm>>
          %dma_wait3A_168 = tpu.memref_slice %arg9[%rem3A_163] : memref<2x!tpu.dma_semaphore, #tpu.memory_space<semaphore_mem>> -> memref<1x!tpu.dma_semaphore, #tpu.memory_space<semaphore_mem>>
          %dma_wait3A_169 = tpu.memref_squeeze %dma_wait3A_168 : memref<1x!tpu.dma_semaphore, #tpu.memory_space<semaphore_mem>> -> memref<!tpu.dma_semaphore, #tpu.memory_space<semaphore_mem>>
          %dma_wait3A_170 = arith.constant 0 : i32
          %dma_wait3A_171 = tpu.memref_slice %arg6[%dma_wait3A_170] : memref<6272xf32, #tpu.memory_space<vmem>> -> memref<1280xf32, #tpu.memory_space<vmem>>
          %dma_wait3A_172 = arith.constant 0 : i32
          %dma_wait3A_173 = tpu.memref_slice %arg3[%dma_wait3A_172] : memref<200704xf32, #tpu.memory_space<hbm>> -> memref<1280xf32, #tpu.memory_space<hbm>>
          tpu.wait_dma2 semaphore(%dma_wait3A_169 : memref<!tpu.dma_semaphore, #tpu.memory_space<semaphore_mem>>) src(%dma_wait3A_173 : memref<1280xf32, #tpu.memory_space<hbm>>) dst(%dma_wait3A_171 : memref<1280xf32, #tpu.memory_space<vmem>>)
        } else {
        }
        %add3A_143 = arith.constant 2 : i32
        %add3A_144 = arith.addi %while3A_107, %add3A_143 : i32
        %add3A_145 = arith.addi %add3A_17, %add3A_144 : i32
        %mul3A_146 = arith.constant 1280 : i32
        %mul3A_147 = arith.muli %add3A_145, %mul3A_146 : i32
        %add3A_148 = arith.constant 3200000 : i32
        %add3A_149 = arith.addi %add3A_148, %mul3A_147 : i32
        %dma_start3A_150 = arith.constant 0 : i32
        %dma_start3A_151 = tpu.memref_slice %arg4[%rem3A_113, %dma_start3A_150] : memref<3x1280xi32, #tpu.memory_space<vmem>> -> memref<1x1280xi32, #tpu.memory_space<vmem>>
        %dma_start3A_152 = tpu.memref_squeeze %dma_start3A_151 : memref<1x1280xi32, #tpu.memory_space<vmem>> -> memref<1280xi32, #tpu.memory_space<vmem>>
        %dma_start3A_153 = tpu.memref_slice %arg2[%add3A_149] : memref<6400000xi32, #tpu.memory_space<hbm>> -> memref<1280xi32, #tpu.memory_space<hbm>>
        %dma_start3A_154 = tpu.memref_slice %arg8[%rem3A_113] : memref<3x!tpu.dma_semaphore, #tpu.memory_space<semaphore_mem>> -> memref<1x!tpu.dma_semaphore, #tpu.memory_space<semaphore_mem>>
        %dma_start3A_155 = tpu.memref_squeeze %dma_start3A_154 : memref<1x!tpu.dma_semaphore, #tpu.memory_space<semaphore_mem>> -> memref<!tpu.dma_semaphore, #tpu.memory_space<semaphore_mem>>
        %dma_start3A_156 = arith.constant 0 : i32
        %dma_start3A_157 = tpu.memref_slice %arg4[%rem3A_113, %dma_start3A_156] : memref<3x1280xi32, #tpu.memory_space<vmem>> -> memref<1x1280xi32, #tpu.memory_space<vmem>>
        %dma_start3A_158 = tpu.memref_squeeze %dma_start3A_157 : memref<1x1280xi32, #tpu.memory_space<vmem>> -> memref<1280xi32, #tpu.memory_space<vmem>>
        %dma_start3A_159 = tpu.memref_slice %arg2[%add3A_149] : memref<6400000xi32, #tpu.memory_space<hbm>> -> memref<1280xi32, #tpu.memory_space<hbm>>
        tpu.enqueue_dma source(%dma_start3A_159 : memref<1280xi32, #tpu.memory_space<hbm>>) target(%dma_start3A_158 : memref<1280xi32, #tpu.memory_space<vmem>>) target_semaphore(%dma_start3A_155 : memref<!tpu.dma_semaphore, #tpu.memory_space<semaphore_mem>>)
      } else {
      }
      %dma_wait3A_118 = arith.constant 0 : i32
      %dma_wait3A_119 = tpu.memref_slice %arg4[%rem3A_109, %dma_wait3A_118] : memref<3x1280xi32, #tpu.memory_space<vmem>> -> memref<1x1280xi32, #tpu.memory_space<vmem>>
      %dma_wait3A_120 = tpu.memref_squeeze %dma_wait3A_119 : memref<1x1280xi32, #tpu.memory_space<vmem>> -> memref<1280xi32, #tpu.memory_space<vmem>>
      %dma_wait3A_121 = arith.constant 0 : i32
      %dma_wait3A_122 = tpu.memref_slice %arg2[%dma_wait3A_121] : memref<6400000xi32, #tpu.memory_space<hbm>> -> memref<1280xi32, #tpu.memory_space<hbm>>
      %dma_wait3A_123 = tpu.memref_slice %arg8[%rem3A_109] : memref<3x!tpu.dma_semaphore, #tpu.memory_space<semaphore_mem>> -> memref<1x!tpu.dma_semaphore, #tpu.memory_space<semaphore_mem>>
      %dma_wait3A_124 = tpu.memref_squeeze %dma_wait3A_123 : memref<1x!tpu.dma_semaphore, #tpu.memory_space<semaphore_mem>> -> memref<!tpu.dma_semaphore, #tpu.memory_space<semaphore_mem>>
      %dma_wait3A_125 = arith.constant 0 : i32
      %dma_wait3A_126 = tpu.memref_slice %arg4[%rem3A_109, %dma_wait3A_125] : memref<3x1280xi32, #tpu.memory_space<vmem>> -> memref<1x1280xi32, #tpu.memory_space<vmem>>
      %dma_wait3A_127 = tpu.memref_squeeze %dma_wait3A_126 : memref<1x1280xi32, #tpu.memory_space<vmem>> -> memref<1280xi32, #tpu.memory_space<vmem>>
      %dma_wait3A_128 = arith.constant 0 : i32
      %dma_wait3A_129 = tpu.memref_slice %arg2[%dma_wait3A_128] : memref<6400000xi32, #tpu.memory_space<hbm>> -> memref<1280xi32, #tpu.memory_space<hbm>>
      tpu.wait_dma2 semaphore(%dma_wait3A_124 : memref<!tpu.dma_semaphore, #tpu.memory_space<semaphore_mem>>) src(%dma_wait3A_129 : memref<1280xi32, #tpu.memory_space<hbm>>) dst(%dma_wait3A_127 : memref<1280xi32, #tpu.memory_space<vmem>>)
      %rem3A_130 = arith.constant 2 : i32
      %rem3A_131 = arith.remsi %while3A_107, %rem3A_130 : i32
      %dma_start3A_132 = arith.constant 0 : i32
      %dma_start3A_133 = tpu.memref_slice %arg4[%rem3A_109, %dma_start3A_132] : memref<3x1280xi32, #tpu.memory_space<vmem>> -> memref<1x1280xi32, #tpu.memory_space<vmem>>
      %dma_start3A_134 = tpu.memref_squeeze %dma_start3A_133 : memref<1x1280xi32, #tpu.memory_space<vmem>> -> memref<1280xi32, #tpu.memory_space<vmem>>
      %dma_start3A_135 = arith.constant 0 : i32
      %dma_start3A_136 = tpu.memref_slice %arg7[%dma_start3A_135] : memref<100352xf32, #tpu.memory_space<vmem_shared>> -> memref<100352xf32, #tpu.memory_space<vmem_shared>>
      %dma_start3A_137 = tpu.memref_slice %arg9[%rem3A_131] : memref<2x!tpu.dma_semaphore, #tpu.memory_space<semaphore_mem>> -> memref<1x!tpu.dma_semaphore, #tpu.memory_space<semaphore_mem>>
      %dma_start3A_138 = tpu.memref_squeeze %dma_start3A_137 : memref<1x!tpu.dma_semaphore, #tpu.memory_space<semaphore_mem>> -> memref<!tpu.dma_semaphore, #tpu.memory_space<semaphore_mem>>
      tpu.enqueue_indirect_dma source(%arg5 : memref<1280xf32, #tpu.memory_space<vmem>>) target(%dma_start3A_136 : memref<100352xf32, #tpu.memory_space<vmem_shared>>) offsets(%dma_start3A_134 : memref<1280xi32, #tpu.memory_space<vmem>>) semaphore(%dma_start3A_138 : memref<!tpu.dma_semaphore, #tpu.memory_space<semaphore_mem>>) {add = true}
    }
    %sub3A = arith.constant 1 : i32
    %sub3A_66 = arith.subi %add3A_21, %sub3A : i32
    %rem3A = arith.constant 2 : i32
    %rem3A_67 = arith.remsi %sub3A_66, %rem3A : i32
    %dma_wait3A = arith.constant 0 : i32
    %dma_wait3A_68 = tpu.memref_slice %arg6[%dma_wait3A] : memref<6272xf32, #tpu.memory_space<vmem>> -> memref<1280xf32, #tpu.memory_space<vmem>>
    %dma_wait3A_69 = arith.constant 0 : i32
    %dma_wait3A_70 = tpu.memref_slice %arg3[%dma_wait3A_69] : memref<200704xf32, #tpu.memory_space<hbm>> -> memref<1280xf32, #tpu.memory_space<hbm>>
    %dma_wait3A_71 = tpu.memref_slice %arg9[%rem3A_67] : memref<2x!tpu.dma_semaphore, #tpu.memory_space<semaphore_mem>> -> memref<1x!tpu.dma_semaphore, #tpu.memory_space<semaphore_mem>>
    %dma_wait3A_72 = tpu.memref_squeeze %dma_wait3A_71 : memref<1x!tpu.dma_semaphore, #tpu.memory_space<semaphore_mem>> -> memref<!tpu.dma_semaphore, #tpu.memory_space<semaphore_mem>>
    %dma_wait3A_73 = arith.constant 0 : i32
    %dma_wait3A_74 = tpu.memref_slice %arg6[%dma_wait3A_73] : memref<6272xf32, #tpu.memory_space<vmem>> -> memref<1280xf32, #tpu.memory_space<vmem>>
    %dma_wait3A_75 = arith.constant 0 : i32
    %dma_wait3A_76 = tpu.memref_slice %arg3[%dma_wait3A_75] : memref<200704xf32, #tpu.memory_space<hbm>> -> memref<1280xf32, #tpu.memory_space<hbm>>
    tpu.wait_dma2 semaphore(%dma_wait3A_72 : memref<!tpu.dma_semaphore, #tpu.memory_space<semaphore_mem>>) src(%dma_wait3A_76 : memref<1280xf32, #tpu.memory_space<hbm>>) dst(%dma_wait3A_74 : memref<1280xf32, #tpu.memory_space<vmem>>)
    %dma_wait3A_77 = arith.constant 0 : i32
    %dma_wait3A_78 = tpu.memref_slice %arg6[%dma_wait3A_77] : memref<6272xf32, #tpu.memory_space<vmem>> -> memref<1280xf32, #tpu.memory_space<vmem>>
    %dma_wait3A_79 = arith.constant 0 : i32
    %dma_wait3A_80 = tpu.memref_slice %arg3[%dma_wait3A_79] : memref<200704xf32, #tpu.memory_space<hbm>> -> memref<1280xf32, #tpu.memory_space<hbm>>
    %dma_wait3A_81 = tpu.memref_slice %arg9[%rem3A_67] : memref<2x!tpu.dma_semaphore, #tpu.memory_space<semaphore_mem>> -> memref<1x!tpu.dma_semaphore, #tpu.memory_space<semaphore_mem>>
    %dma_wait3A_82 = tpu.memref_squeeze %dma_wait3A_81 : memref<1x!tpu.dma_semaphore, #tpu.memory_space<semaphore_mem>> -> memref<!tpu.dma_semaphore, #tpu.memory_space<semaphore_mem>>
    %dma_wait3A_83 = arith.constant 0 : i32
    %dma_wait3A_84 = tpu.memref_slice %arg6[%dma_wait3A_83] : memref<6272xf32, #tpu.memory_space<vmem>> -> memref<1280xf32, #tpu.memory_space<vmem>>
    %dma_wait3A_85 = arith.constant 0 : i32
    %dma_wait3A_86 = tpu.memref_slice %arg3[%dma_wait3A_85] : memref<200704xf32, #tpu.memory_space<hbm>> -> memref<1280xf32, #tpu.memory_space<hbm>>
    tpu.wait_dma2 semaphore(%dma_wait3A_82 : memref<!tpu.dma_semaphore, #tpu.memory_space<semaphore_mem>>) src(%dma_wait3A_86 : memref<1280xf32, #tpu.memory_space<hbm>>) dst(%dma_wait3A_84 : memref<1280xf32, #tpu.memory_space<vmem>>)
    %sub3A_87 = arith.constant 1 : i32
    %sub3A_88 = arith.subi %sub3A_87, %rem3A_67 : i32
    %dma_wait3A_89 = arith.constant 0 : i32
    %dma_wait3A_90 = tpu.memref_slice %arg6[%dma_wait3A_89] : memref<6272xf32, #tpu.memory_space<vmem>> -> memref<1280xf32, #tpu.memory_space<vmem>>
    %dma_wait3A_91 = arith.constant 0 : i32
    %dma_wait3A_92 = tpu.memref_slice %arg3[%dma_wait3A_91] : memref<200704xf32, #tpu.memory_space<hbm>> -> memref<1280xf32, #tpu.memory_space<hbm>>
    %dma_wait3A_93 = tpu.memref_slice %arg9[%sub3A_88] : memref<2x!tpu.dma_semaphore, #tpu.memory_space<semaphore_mem>> -> memref<1x!tpu.dma_semaphore, #tpu.memory_space<semaphore_mem>>
    %dma_wait3A_94 = tpu.memref_squeeze %dma_wait3A_93 : memref<1x!tpu.dma_semaphore, #tpu.memory_space<semaphore_mem>> -> memref<!tpu.dma_semaphore, #tpu.memory_space<semaphore_mem>>
    %dma_wait3A_95 = arith.constant 0 : i32
    %dma_wait3A_96 = tpu.memref_slice %arg6[%dma_wait3A_95] : memref<6272xf32, #tpu.memory_space<vmem>> -> memref<1280xf32, #tpu.memory_space<vmem>>
    %dma_wait3A_97 = arith.constant 0 : i32
    %dma_wait3A_98 = tpu.memref_slice %arg3[%dma_wait3A_97] : memref<200704xf32, #tpu.memory_space<hbm>> -> memref<1280xf32, #tpu.memory_space<hbm>>
    tpu.wait_dma2 semaphore(%dma_wait3A_94 : memref<!tpu.dma_semaphore, #tpu.memory_space<semaphore_mem>>) src(%dma_wait3A_98 : memref<1280xf32, #tpu.memory_space<hbm>>) dst(%dma_wait3A_96 : memref<1280xf32, #tpu.memory_space<vmem>>)
    %barrier3A_99 = arith.constant 0 : index
    tpu.barrier barrier_id(%barrier3A_99)
    %mul3A_100 = arith.constant 6272 : i32
    %mul3A_101 = arith.muli %arg1, %mul3A_100 : i32
    %mul3A_102 = arith.constant 100352 : i32
    %mul3A_103 = arith.muli %arg0, %mul3A_102 : i32
    %mul3A_104 = arith.constant 6272 : i32
    %mul3A_105 = arith.muli %arg1, %mul3A_104 : i32
    %add3A_106 = arith.addi %mul3A_103, %mul3A_105 : i32
    "tpu.region"() ({
      %run_scoped3A = tpu.sem_alloc : memref<!tpu.dma_semaphore, #tpu.memory_space<semaphore_mem>>
      %dma_start3A_107 = tpu.memref_slice %arg3[%add3A_106] : memref<200704xf32, #tpu.memory_space<hbm>> -> memref<6272xf32, #tpu.memory_space<hbm>>
      %dma_start3A_108 = tpu.memref_slice %arg7[%mul3A_101] : memref<100352xf32, #tpu.memory_space<vmem_shared>> -> memref<6272xf32, #tpu.memory_space<vmem_shared>>
      tpu.enqueue_dma source(%dma_start3A_108 : memref<6272xf32, #tpu.memory_space<vmem_shared>>) target(%dma_start3A_107 : memref<6272xf32, #tpu.memory_space<hbm>>) target_semaphore(%run_scoped3A : memref<!tpu.dma_semaphore, #tpu.memory_space<semaphore_mem>>)
      %dma_wait3A_109 = tpu.memref_slice %arg3[%add3A_106] : memref<200704xf32, #tpu.memory_space<hbm>> -> memref<6272xf32, #tpu.memory_space<hbm>>
      %dma_wait3A_110 = tpu.memref_slice %arg7[%mul3A_101] : memref<100352xf32, #tpu.memory_space<vmem_shared>> -> memref<6272xf32, #tpu.memory_space<vmem_shared>>
      tpu.wait_dma2 semaphore(%run_scoped3A : memref<!tpu.dma_semaphore, #tpu.memory_space<semaphore_mem>>) src(%dma_wait3A_110 : memref<6272xf32, #tpu.memory_space<vmem_shared>>) dst(%dma_wait3A_109 : memref<6272xf32, #tpu.memory_space<hbm>>)
      tpu.yield
    }) : () -> ()
    return
  }
}

module attributes {stable_mosaic.version = 14 : i64} {
  func.func @_tc_layer0_body(%arg0: i32, %arg1: memref<2048x128xf32, #tpu.memory_space<vmem>>, %arg2: memref<128x16xf32, #tpu.memory_space<vmem>>, %arg3: memref<1x16xf32, #tpu.memory_space<vmem>>, %arg4: memref<1x16xf32, #tpu.memory_space<vmem>>, %arg5: memref<1x16xf32, #tpu.memory_space<vmem>>, %arg6: memref<16x16xf32, #tpu.memory_space<vmem>>, %arg7: memref<2048x16xf32, #tpu.memory_space<vmem>>, %arg8: memref<2048x16xf32, #tpu.memory_space<vmem>>) attributes {dimension_semantics = [#tpu.dimension_semantics<arbitrary>], iteration_bounds = array<i64: 49>, scalar_prefetch = 0 : i64, scratch_operands = 0 : i64, tpu.core_type = #tpu.core_type<tc>, window_params = [{transform_indices = @transform_0, window_bounds = array<i64: 2048, 128>}, {pipeline_mode = #tpu.pipeline_mode<synchronous>, transform_indices = @transform_1, window_bounds = array<i64: 128, 16>}, {pipeline_mode = #tpu.pipeline_mode<synchronous>, transform_indices = @transform_2, window_bounds = array<i64: 1, 16>}, {pipeline_mode = #tpu.pipeline_mode<synchronous>, transform_indices = @transform_3, window_bounds = array<i64: 1, 16>}, {pipeline_mode = #tpu.pipeline_mode<synchronous>, transform_indices = @transform_4, window_bounds = array<i64: 1, 16>}, {pipeline_mode = #tpu.pipeline_mode<synchronous>, transform_indices = @transform_5, window_bounds = array<i64: 16, 16>}, {transform_indices = @transform_6, window_bounds = array<i64: 2048, 16>}, {transform_indices = @transform_7, window_bounds = array<i64: 2048, 16>}]} {
    %get3A = arith.constant 0 : index
    %get3A_0 = arith.constant 0 : index
    %get3A_1 = vector.load %arg1[%get3A, %get3A_0] : memref<2048x128xf32, #tpu.memory_space<vmem>>, vector<2048x128xf32>
    %get3A_2 = arith.constant 0 : index
    %get3A_3 = arith.constant 0 : index
    %get3A_4 = vector.load %arg2[%get3A_2, %get3A_3] : memref<128x16xf32, #tpu.memory_space<vmem>>, vector<128x16xf32>
    %dot_general3A = arith.constant dense<0.000000e+00> : vector<2048x16xf32>
    %dot_general3A_5 = tpu.matmul %get3A_1, %get3A_4, %dot_general3A {dimension_numbers = #tpu.dot_dimension_numbers<[1], [0], [0], [1], [0, 0, 1, 1], [], []>, transpose_lhs_hint = false} : vector<2048x128xf32>, vector<128x16xf32>, vector<2048x16xf32> -> vector<2048x16xf32>
    %get3A_6 = arith.constant 0 : index
    %get3A_7 = arith.constant 0 : index
    %get3A_8 = vector.load %arg3[%get3A_6, %get3A_7] : memref<1x16xf32, #tpu.memory_space<vmem>>, vector<1x16xf32>
    %add3A = vector.broadcast %get3A_8 : vector<1x16xf32> to vector<2048x16xf32>
    %add3A_9 = arith.addf %dot_general3A_5, %add3A : vector<2048x16xf32>
    %reduce_sum3A = arith.constant dense<0.000000e+00> : vector<2048xf32>
    %reduce_sum3A_10 = vector.multi_reduction <add>, %add3A_9, %reduce_sum3A [1] : vector<2048x16xf32> to vector<2048xf32>
    %broadcast_in_dim3A = vector.shape_cast %reduce_sum3A_10 : vector<2048xf32> to vector<2048x1xf32>
    %div3A = arith.constant 1.600000e+01 : f32
    %div3A_11 = vector.broadcast %div3A : f32 to vector<2048x1xf32>
    %div3A_12 = arith.divf %broadcast_in_dim3A, %div3A_11 : vector<2048x1xf32>
    %sub3A = vector.broadcast %div3A_12 : vector<2048x1xf32> to vector<2048x16xf32>
    %sub3A_13 = arith.subf %add3A_9, %sub3A : vector<2048x16xf32>
    %integer_pow3A = arith.mulf %sub3A_13, %sub3A_13 : vector<2048x16xf32>
    %reduce_sum3A_14 = arith.constant dense<0.000000e+00> : vector<2048xf32>
    %reduce_sum3A_15 = vector.multi_reduction <add>, %integer_pow3A, %reduce_sum3A_14 [1] : vector<2048x16xf32> to vector<2048xf32>
    %broadcast_in_dim3A_16 = vector.shape_cast %reduce_sum3A_15 : vector<2048xf32> to vector<2048x1xf32>
    %div3A_17 = arith.constant 1.600000e+01 : f32
    %div3A_18 = vector.broadcast %div3A_17 : f32 to vector<2048x1xf32>
    %div3A_19 = arith.divf %broadcast_in_dim3A_16, %div3A_18 : vector<2048x1xf32>
    %sub3A_20 = vector.broadcast %div3A_12 : vector<2048x1xf32> to vector<2048x16xf32>
    %sub3A_21 = arith.subf %add3A_9, %sub3A_20 : vector<2048x16xf32>
    %add3A_22 = arith.constant 9.99999974E-6 : f32
    %add3A_23 = vector.broadcast %add3A_22 : f32 to vector<2048x1xf32>
    %add3A_24 = arith.addf %div3A_19, %add3A_23 : vector<2048x1xf32>
    %sqrt3A = math.sqrt %add3A_24 : vector<2048x1xf32>
    %div3A_25 = vector.broadcast %sqrt3A : vector<2048x1xf32> to vector<2048x16xf32>
    %div3A_26 = arith.divf %sub3A_21, %div3A_25 : vector<2048x16xf32>
    %get3A_27 = arith.constant 0 : index
    %get3A_28 = arith.constant 0 : index
    %get3A_29 = vector.load %arg4[%get3A_27, %get3A_28] : memref<1x16xf32, #tpu.memory_space<vmem>>, vector<1x16xf32>
    %mul3A = vector.broadcast %get3A_29 : vector<1x16xf32> to vector<2048x16xf32>
    %mul3A_30 = arith.mulf %div3A_26, %mul3A : vector<2048x16xf32>
    %get3A_31 = arith.constant 0 : index
    %get3A_32 = arith.constant 0 : index
    %get3A_33 = vector.load %arg5[%get3A_31, %get3A_32] : memref<1x16xf32, #tpu.memory_space<vmem>>, vector<1x16xf32>
    %add3A_34 = vector.broadcast %get3A_33 : vector<1x16xf32> to vector<2048x16xf32>
    %add3A_35 = arith.addf %mul3A_30, %add3A_34 : vector<2048x16xf32>
    %mul3A_36 = arith.constant 5.000000e-01 : f32
    %mul3A_37 = vector.broadcast %mul3A_36 : f32 to vector<2048x16xf32>
    %mul3A_38 = arith.mulf %mul3A_37, %add3A_35 : vector<2048x16xf32>
    %mul3A_39 = arith.constant 0.707106769 : f32
    %mul3A_40 = vector.broadcast %mul3A_39 : f32 to vector<2048x16xf32>
    %mul3A_41 = arith.mulf %add3A_35, %mul3A_40 : vector<2048x16xf32>
    %erf3A = math.erf %mul3A_41 : vector<2048x16xf32>
    %add3A_42 = arith.constant 1.000000e+00 : f32
    %add3A_43 = vector.broadcast %add3A_42 : f32 to vector<2048x16xf32>
    %add3A_44 = arith.addf %add3A_43, %erf3A : vector<2048x16xf32>
    %mul3A_45 = arith.mulf %mul3A_38, %add3A_44 : vector<2048x16xf32>
    %swap3A = arith.constant 0 : index
    %swap3A_46 = arith.constant 0 : index
    %swap3A_47 = vector.load %arg7[%swap3A, %swap3A_46] : memref<2048x16xf32, #tpu.memory_space<vmem>>, vector<2048x16xf32>
    tpu.vector_store %arg7[%swap3A, %swap3A_46], %mul3A_45 {strides = array<i32>} : memref<2048x16xf32, #tpu.memory_space<vmem>>, vector<2048x16xf32>,
    %get3A_48 = arith.constant 0 : index
    %get3A_49 = arith.constant 0 : index
    %get3A_50 = vector.load %arg6[%get3A_48, %get3A_49] : memref<16x16xf32, #tpu.memory_space<vmem>>, vector<16x16xf32>
    %dot_general3A_51 = arith.constant dense<0.000000e+00> : vector<2048x16xf32>
    %dot_general3A_52 = tpu.matmul %mul3A_45, %get3A_50, %dot_general3A_51 {dimension_numbers = #tpu.dot_dimension_numbers<[1], [0], [0], [1], [0, 0, 1, 1], [], []>, transpose_lhs_hint = false} : vector<2048x16xf32>, vector<16x16xf32>, vector<2048x16xf32> -> vector<2048x16xf32>
    %swap3A_53 = arith.constant 0 : index
    %swap3A_54 = arith.constant 0 : index
    %swap3A_55 = vector.load %arg8[%swap3A_53, %swap3A_54] : memref<2048x16xf32, #tpu.memory_space<vmem>>, vector<2048x16xf32>
    tpu.vector_store %arg8[%swap3A_53, %swap3A_54], %dot_general3A_52 {strides = array<i32>} : memref<2048x16xf32, #tpu.memory_space<vmem>>, vector<2048x16xf32>,
    return
  }
  func.func @transform_0(%arg0: i32) -> (i32, i32) {
    %c0_i32 = arith.constant 0 : i32
    %c0_i32_0 = arith.constant 0 : i32
    return %arg0, %c0_i32 : i32, i32
  }
  func.func @transform_1(%arg0: i32) -> (i32, i32) {
    %c0_i32 = arith.constant 0 : i32
    %c0_i32_0 = arith.constant 0 : i32
    %c0_i32_1 = arith.constant 0 : i32
    return %c0_i32, %c0_i32_0 : i32, i32
  }
  func.func @transform_2(%arg0: i32) -> (i32, i32) {
    %c0_i32 = arith.constant 0 : i32
    %c0_i32_0 = arith.constant 0 : i32
    %c0_i32_1 = arith.constant 0 : i32
    return %c0_i32, %c0_i32_0 : i32, i32
  }
  func.func @transform_3(%arg0: i32) -> (i32, i32) {
    %c0_i32 = arith.constant 0 : i32
    %c0_i32_0 = arith.constant 0 : i32
    %c0_i32_1 = arith.constant 0 : i32
    return %c0_i32, %c0_i32_0 : i32, i32
  }
  func.func @transform_4(%arg0: i32) -> (i32, i32) {
    %c0_i32 = arith.constant 0 : i32
    %c0_i32_0 = arith.constant 0 : i32
    %c0_i32_1 = arith.constant 0 : i32
    return %c0_i32, %c0_i32_0 : i32, i32
  }
  func.func @transform_5(%arg0: i32) -> (i32, i32) {
    %c0_i32 = arith.constant 0 : i32
    %c0_i32_0 = arith.constant 0 : i32
    %c0_i32_1 = arith.constant 0 : i32
    return %c0_i32, %c0_i32_0 : i32, i32
  }
  func.func @transform_6(%arg0: i32) -> (i32, i32) {
    %c0_i32 = arith.constant 0 : i32
    %c0_i32_0 = arith.constant 0 : i32
    return %arg0, %c0_i32 : i32, i32
  }
  func.func @transform_7(%arg0: i32) -> (i32, i32) {
    %c0_i32 = arith.constant 0 : i32
    %c0_i32_0 = arith.constant 0 : i32
    return %arg0, %c0_i32 : i32, i32
  }
}

module attributes {stable_mosaic.version = 14 : i64} {
  func.func @_tc_hn_body(%arg0: i32, %arg1: memref<2x2048xf32, #tpu.memory_space<vmem>>, %arg2: memref<2048x16xf32, #tpu.memory_space<vmem>>, %arg3: memref<2048x16xf32, #tpu.memory_space<vmem>>) attributes {dimension_semantics = [#tpu.dimension_semantics<arbitrary>], iteration_bounds = array<i64: 49>, scalar_prefetch = 0 : i64, scratch_operands = 0 : i64, tpu.core_type = #tpu.core_type<tc>, window_params = [{transform_indices = @transform_0, window_bounds = array<i64: 2, 2048>}, {transform_indices = @transform_1, window_bounds = array<i64: 2048, 16>}, {transform_indices = @transform_2, window_bounds = array<i64: 2048, 16>}]} {
    %get3A = arith.constant 0 : index
    %get3A_0 = arith.constant 0 : index
    %get3A_1 = vector.load %arg2[%get3A, %get3A_0] : memref<2048x16xf32, #tpu.memory_space<vmem>>, vector<2048x16xf32>
    %get3A_2 = arith.constant 0 : index
    %get3A_3 = arith.constant 0 : index
    %get3A_4 = vector.load %arg1[%get3A_2, %get3A_3] : memref<2x2048xf32, #tpu.memory_space<vmem>>, vector<2x2048xf32>
    %slice3A = vector.extract_strided_slice %get3A_4 {offsets = [0, 0], sizes = [1, 2048], strides = [1, 1]} : vector<2x2048xf32> to vector<1x2048xf32>
    %squeeze3A = vector.shape_cast %slice3A : vector<1x2048xf32> to vector<2048xf32>
    %slice3A_5 = vector.extract_strided_slice %get3A_4 {offsets = [1, 0], sizes = [1, 2048], strides = [1, 1]} : vector<2x2048xf32> to vector<1x2048xf32>
    %squeeze3A_6 = vector.shape_cast %slice3A_5 : vector<1x2048xf32> to vector<2048xf32>
    %add3A = arith.addf %squeeze3A, %squeeze3A_6 : vector<2048xf32>
    %add3A_7 = arith.constant 1.000000e+00 : f32
    %add3A_8 = vector.broadcast %add3A_7 : f32 to vector<2048xf32>
    %add3A_9 = arith.addf %add3A, %add3A_8 : vector<2048xf32>
    %rsqrt3A = math.rsqrt %add3A_9 : vector<2048xf32>
    %reshape3A = vector.shape_cast %rsqrt3A : vector<2048xf32> to vector<2048x1xf32>
    %mul3A = vector.broadcast %reshape3A : vector<2048x1xf32> to vector<2048x16xf32>
    %mul3A_10 = arith.mulf %get3A_1, %mul3A : vector<2048x16xf32>
    %swap3A = arith.constant 0 : index
    %swap3A_11 = arith.constant 0 : index
    %swap3A_12 = vector.load %arg3[%swap3A, %swap3A_11] : memref<2048x16xf32, #tpu.memory_space<vmem>>, vector<2048x16xf32>
    tpu.vector_store %arg3[%swap3A, %swap3A_11], %mul3A_10 {strides = array<i32>} : memref<2048x16xf32, #tpu.memory_space<vmem>>, vector<2048x16xf32>,
    return
  }
  func.func @transform_0(%arg0: i32) -> (i32, i32) {
    %c0_i32 = arith.constant 0 : i32
    %c0_i32_0 = arith.constant 0 : i32
    return %c0_i32, %arg0 : i32, i32
  }
  func.func @transform_1(%arg0: i32) -> (i32, i32) {
    %c0_i32 = arith.constant 0 : i32
    %c0_i32_0 = arith.constant 0 : i32
    return %arg0, %c0_i32 : i32, i32
  }
  func.func @transform_2(%arg0: i32) -> (i32, i32) {
    %c0_i32 = arith.constant 0 : i32
    %c0_i32_0 = arith.constant 0 : i32
    return %arg0, %c0_i32 : i32, i32
  }
}

module attributes {stable_mosaic.version = 14 : i64} {
  func.func @_tc_final_body(%arg0: i32, %arg1: memref<2x2048x16xf32, #tpu.memory_space<vmem>>, %arg2: memref<2x2048xf32, #tpu.memory_space<vmem>>, %arg3: memref<2048x16xf32, #tpu.memory_space<vmem>>, %arg4: memref<2048x16xf32, #tpu.memory_space<vmem>>, %arg5: memref<1x16xf32, #tpu.memory_space<vmem>>, %arg6: memref<1x16xf32, #tpu.memory_space<vmem>>, %arg7: memref<1x16xf32, #tpu.memory_space<vmem>>, %arg8: memref<16x128xf32, #tpu.memory_space<vmem>>, %arg9: memref<1x128xf32, #tpu.memory_space<vmem>>, %arg10: memref<2048x128xf32, #tpu.memory_space<vmem>>) attributes {dimension_semantics = [#tpu.dimension_semantics<arbitrary>], iteration_bounds = array<i64: 49>, scalar_prefetch = 0 : i64, scratch_operands = 0 : i64, tpu.core_type = #tpu.core_type<tc>, window_params = [{transform_indices = @transform_0, window_bounds = array<i64: 2, 2048, 16>}, {transform_indices = @transform_1, window_bounds = array<i64: 2, 2048>}, {transform_indices = @transform_2, window_bounds = array<i64: 2048, 16>}, {transform_indices = @transform_3, window_bounds = array<i64: 2048, 16>}, {pipeline_mode = #tpu.pipeline_mode<synchronous>, transform_indices = @transform_4, window_bounds = array<i64: 1, 16>}, {pipeline_mode = #tpu.pipeline_mode<synchronous>, transform_indices = @transform_5, window_bounds = array<i64: 1, 16>}, {pipeline_mode = #tpu.pipeline_mode<synchronous>, transform_indices = @transform_6, window_bounds = array<i64: 1, 16>}, {pipeline_mode = #tpu.pipeline_mode<synchronous>, transform_indices = @transform_7, window_bounds = array<i64: 16, 128>}, {pipeline_mode = #tpu.pipeline_mode<synchronous>, transform_indices = @transform_8, window_bounds = array<i64: 1, 128>}, {transform_indices = @transform_9, window_bounds = array<i64: 2048, 128>}]} {
    %get3A = arith.constant 0 : index
    %get3A_0 = arith.constant 0 : index
    %get3A_1 = arith.constant 0 : index
    %get3A_2 = vector.load %arg1[%get3A, %get3A_0, %get3A_1] : memref<2x2048x16xf32, #tpu.memory_space<vmem>>, vector<1x2048x16xf32>
    %get3A_3 = vector.shape_cast %get3A_2 : vector<1x2048x16xf32> to vector<2048x16xf32>
    %get3A_4 = arith.constant 1 : index
    %get3A_5 = arith.constant 0 : index
    %get3A_6 = arith.constant 0 : index
    %get3A_7 = vector.load %arg1[%get3A_4, %get3A_5, %get3A_6] : memref<2x2048x16xf32, #tpu.memory_space<vmem>>, vector<1x2048x16xf32>
    %get3A_8 = vector.shape_cast %get3A_7 : vector<1x2048x16xf32> to vector<2048x16xf32>
    %add3A = arith.addf %get3A_3, %get3A_8 : vector<2048x16xf32>
    %get3A_9 = arith.constant 0 : index
    %get3A_10 = arith.constant 0 : index
    %get3A_11 = vector.load %arg2[%get3A_9, %get3A_10] : memref<2x2048xf32, #tpu.memory_space<vmem>>, vector<2x2048xf32>
    %slice3A = vector.extract_strided_slice %get3A_11 {offsets = [0, 0], sizes = [1, 2048], strides = [1, 1]} : vector<2x2048xf32> to vector<1x2048xf32>
    %squeeze3A = vector.shape_cast %slice3A : vector<1x2048xf32> to vector<2048xf32>
    %slice3A_12 = vector.extract_strided_slice %get3A_11 {offsets = [1, 0], sizes = [1, 2048], strides = [1, 1]} : vector<2x2048xf32> to vector<1x2048xf32>
    %squeeze3A_13 = vector.shape_cast %slice3A_12 : vector<1x2048xf32> to vector<2048xf32>
    %add3A_14 = arith.addf %squeeze3A, %squeeze3A_13 : vector<2048xf32>
    %add3A_15 = arith.constant 1.000000e+00 : f32
    %add3A_16 = vector.broadcast %add3A_15 : f32 to vector<2048xf32>
    %add3A_17 = arith.addf %add3A_14, %add3A_16 : vector<2048xf32>
    %rsqrt3A = math.rsqrt %add3A_17 : vector<2048xf32>
    %reshape3A = vector.shape_cast %rsqrt3A : vector<2048xf32> to vector<2048x1xf32>
    %get3A_18 = arith.constant 0 : index
    %get3A_19 = arith.constant 0 : index
    %get3A_20 = vector.load %arg3[%get3A_18, %get3A_19] : memref<2048x16xf32, #tpu.memory_space<vmem>>, vector<2048x16xf32>
    %add3A_21 = arith.addf %add3A, %get3A_20 : vector<2048x16xf32>
    %mul3A = vector.broadcast %reshape3A : vector<2048x1xf32> to vector<2048x16xf32>
    %mul3A_22 = arith.mulf %add3A_21, %mul3A : vector<2048x16xf32>
    %get3A_23 = arith.constant 0 : index
    %get3A_24 = arith.constant 0 : index
    %get3A_25 = vector.load %arg5[%get3A_23, %get3A_24] : memref<1x16xf32, #tpu.memory_space<vmem>>, vector<1x16xf32>
    %add3A_26 = vector.broadcast %get3A_25 : vector<1x16xf32> to vector<2048x16xf32>
    %add3A_27 = arith.addf %mul3A_22, %add3A_26 : vector<2048x16xf32>
    %reduce_sum3A = arith.constant dense<0.000000e+00> : vector<2048xf32>
    %reduce_sum3A_28 = vector.multi_reduction <add>, %add3A_27, %reduce_sum3A [1] : vector<2048x16xf32> to vector<2048xf32>
    %broadcast_in_dim3A = vector.shape_cast %reduce_sum3A_28 : vector<2048xf32> to vector<2048x1xf32>
    %div3A = arith.constant 1.600000e+01 : f32
    %div3A_29 = vector.broadcast %div3A : f32 to vector<2048x1xf32>
    %div3A_30 = arith.divf %broadcast_in_dim3A, %div3A_29 : vector<2048x1xf32>
    %sub3A = vector.broadcast %div3A_30 : vector<2048x1xf32> to vector<2048x16xf32>
    %sub3A_31 = arith.subf %add3A_27, %sub3A : vector<2048x16xf32>
    %integer_pow3A = arith.mulf %sub3A_31, %sub3A_31 : vector<2048x16xf32>
    %reduce_sum3A_32 = arith.constant dense<0.000000e+00> : vector<2048xf32>
    %reduce_sum3A_33 = vector.multi_reduction <add>, %integer_pow3A, %reduce_sum3A_32 [1] : vector<2048x16xf32> to vector<2048xf32>
    %broadcast_in_dim3A_34 = vector.shape_cast %reduce_sum3A_33 : vector<2048xf32> to vector<2048x1xf32>
    %div3A_35 = arith.constant 1.600000e+01 : f32
    %div3A_36 = vector.broadcast %div3A_35 : f32 to vector<2048x1xf32>
    %div3A_37 = arith.divf %broadcast_in_dim3A_34, %div3A_36 : vector<2048x1xf32>
    %sub3A_38 = vector.broadcast %div3A_30 : vector<2048x1xf32> to vector<2048x16xf32>
    %sub3A_39 = arith.subf %add3A_27, %sub3A_38 : vector<2048x16xf32>
    %add3A_40 = arith.constant 9.99999974E-6 : f32
    %add3A_41 = vector.broadcast %add3A_40 : f32 to vector<2048x1xf32>
    %add3A_42 = arith.addf %div3A_37, %add3A_41 : vector<2048x1xf32>
    %sqrt3A = math.sqrt %add3A_42 : vector<2048x1xf32>
    %div3A_43 = vector.broadcast %sqrt3A : vector<2048x1xf32> to vector<2048x16xf32>
    %div3A_44 = arith.divf %sub3A_39, %div3A_43 : vector<2048x16xf32>
    %get3A_45 = arith.constant 0 : index
    %get3A_46 = arith.constant 0 : index
    %get3A_47 = vector.load %arg6[%get3A_45, %get3A_46] : memref<1x16xf32, #tpu.memory_space<vmem>>, vector<1x16xf32>
    %mul3A_48 = vector.broadcast %get3A_47 : vector<1x16xf32> to vector<2048x16xf32>
    %mul3A_49 = arith.mulf %div3A_44, %mul3A_48 : vector<2048x16xf32>
    %get3A_50 = arith.constant 0 : index
    %get3A_51 = arith.constant 0 : index
    %get3A_52 = vector.load %arg7[%get3A_50, %get3A_51] : memref<1x16xf32, #tpu.memory_space<vmem>>, vector<1x16xf32>
    %add3A_53 = vector.broadcast %get3A_52 : vector<1x16xf32> to vector<2048x16xf32>
    %add3A_54 = arith.addf %mul3A_49, %add3A_53 : vector<2048x16xf32>
    %mul3A_55 = arith.constant 5.000000e-01 : f32
    %mul3A_56 = vector.broadcast %mul3A_55 : f32 to vector<2048x16xf32>
    %mul3A_57 = arith.mulf %mul3A_56, %add3A_54 : vector<2048x16xf32>
    %mul3A_58 = arith.constant 0.707106769 : f32
    %mul3A_59 = vector.broadcast %mul3A_58 : f32 to vector<2048x16xf32>
    %mul3A_60 = arith.mulf %add3A_54, %mul3A_59 : vector<2048x16xf32>
    %erf3A = math.erf %mul3A_60 : vector<2048x16xf32>
    %add3A_61 = arith.constant 1.000000e+00 : f32
    %add3A_62 = vector.broadcast %add3A_61 : f32 to vector<2048x16xf32>
    %add3A_63 = arith.addf %add3A_62, %erf3A : vector<2048x16xf32>
    %mul3A_64 = arith.mulf %mul3A_57, %add3A_63 : vector<2048x16xf32>
    %get3A_65 = arith.constant 0 : index
    %get3A_66 = arith.constant 0 : index
    %get3A_67 = vector.load %arg4[%get3A_65, %get3A_66] : memref<2048x16xf32, #tpu.memory_space<vmem>>, vector<2048x16xf32>
    %add3A_68 = arith.addf %mul3A_64, %get3A_67 : vector<2048x16xf32>
    %get3A_69 = arith.constant 0 : index
    %get3A_70 = arith.constant 0 : index
    %get3A_71 = vector.load %arg8[%get3A_69, %get3A_70] : memref<16x128xf32, #tpu.memory_space<vmem>>, vector<16x128xf32>
    %dot_general3A = arith.constant dense<0.000000e+00> : vector<2048x128xf32>
    %dot_general3A_72 = tpu.matmul %add3A_68, %get3A_71, %dot_general3A {dimension_numbers = #tpu.dot_dimension_numbers<[1], [0], [0], [1], [0, 0, 1, 1], [], []>, transpose_lhs_hint = false} : vector<2048x16xf32>, vector<16x128xf32>, vector<2048x128xf32> -> vector<2048x128xf32>
    %get3A_73 = arith.constant 0 : index
    %get3A_74 = arith.constant 0 : index
    %get3A_75 = vector.load %arg9[%get3A_73, %get3A_74] : memref<1x128xf32, #tpu.memory_space<vmem>>, vector<1x128xf32>
    %add3A_76 = vector.broadcast %get3A_75 : vector<1x128xf32> to vector<2048x128xf32>
    %add3A_77 = arith.addf %dot_general3A_72, %add3A_76 : vector<2048x128xf32>
    %swap3A = arith.constant 0 : index
    %swap3A_78 = arith.constant 0 : index
    %swap3A_79 = vector.load %arg10[%swap3A, %swap3A_78] : memref<2048x128xf32, #tpu.memory_space<vmem>>, vector<2048x128xf32>
    tpu.vector_store %arg10[%swap3A, %swap3A_78], %add3A_77 {strides = array<i32>} : memref<2048x128xf32, #tpu.memory_space<vmem>>, vector<2048x128xf32>,
    return
  }
  func.func @transform_0(%arg0: i32) -> (i32, i32, i32) {
    %c0_i32 = arith.constant 0 : i32
    %c0_i32_0 = arith.constant 0 : i32
    %c0_i32_1 = arith.constant 0 : i32
    return %c0_i32, %arg0, %c0_i32_0 : i32, i32, i32
  }
  func.func @transform_1(%arg0: i32) -> (i32, i32) {
    %c0_i32 = arith.constant 0 : i32
    %c0_i32_0 = arith.constant 0 : i32
    return %c0_i32, %arg0 : i32, i32
  }
  func.func @transform_2(%arg0: i32) -> (i32, i32) {
    %c0_i32 = arith.constant 0 : i32
    %c0_i32_0 = arith.constant 0 : i32
    return %arg0, %c0_i32 : i32, i32
  }
  func.func @transform_3(%arg0: i32) -> (i32, i32) {
    %c0_i32 = arith.constant 0 : i32
    %c0_i32_0 = arith.constant 0 : i32
    return %arg0, %c0_i32 : i32, i32
  }
  func.func @transform_4(%arg0: i32) -> (i32, i32) {
    %c0_i32 = arith.constant 0 : i32
    %c0_i32_0 = arith.constant 0 : i32
    %c0_i32_1 = arith.constant 0 : i32
    return %c0_i32, %c0_i32_0 : i32, i32
  }
  func.func @transform_5(%arg0: i32) -> (i32, i32) {
    %c0_i32 = arith.constant 0 : i32
    %c0_i32_0 = arith.constant 0 : i32
    %c0_i32_1 = arith.constant 0 : i32
    return %c0_i32, %c0_i32_0 : i32, i32
  }
  func.func @transform_6(%arg0: i32) -> (i32, i32) {
    %c0_i32 = arith.constant 0 : i32
    %c0_i32_0 = arith.constant 0 : i32
    %c0_i32_1 = arith.constant 0 : i32
    return %c0_i32, %c0_i32_0 : i32, i32
  }
  func.func @transform_7(%arg0: i32) -> (i32, i32) {
    %c0_i32 = arith.constant 0 : i32
    %c0_i32_0 = arith.constant 0 : i32
    %c0_i32_1 = arith.constant 0 : i32
    return %c0_i32, %c0_i32_0 : i32, i32
  }
  func.func @transform_8(%arg0: i32) -> (i32, i32) {
    %c0_i32 = arith.constant 0 : i32
    %c0_i32_0 = arith.constant 0 : i32
    %c0_i32_1 = arith.constant 0 : i32
    return %c0_i32, %c0_i32_0 : i32, i32
  }
  func.func @transform_9(%arg0: i32) -> (i32, i32) {
    %c0_i32 = arith.constant 0 : i32
    %c0_i32_0 = arith.constant 0 : i32
    return %arg0, %c0_i32 : i32, i32
  }
}

</mosaic_0001>

<sc_bundles>
// kernel: kernel.10.cloned.1.call-start
scs
__scs_entry_jumppad:
0x0: {  	(pc) =	sbr.rel $0x88, $3  }
0x1: {  	(tag) =	ssettag $0x0;
	lr =	simm.s32 $0x1  }
0x2: {  	[smem:$0x3F95] =	sst lr;
	_ =	strace $0xD0000000  }
0x3: {  	_ = 	snop  }
0x4: {  	_ = 	snop  }
0x5: {  	_ = 	snop  }
0x6: {  	_ = 	snop  }
0x7: {  	_ = 	snop  }
__scs_overlays_trampoline_lowered:
0x8: {  	[smem:$0x3FA4] =	sst s0  }
0x9: {  	[smem:$0x3FA5] =	sst s1  }
0xa: {  	[smem:$0x3FA6] =	sst s2  }
0xb: {  	[smem:$0x3FA7] =	sst s3  }
0xc: {  	[smem:$0x3FA8] =	sst s4  }
0xd: {  	[smem:$0x3FA9] =	sst s5  }
0xe: {  	[smem:$0x3FAA] =	sst s6  }
0xf: {  	[smem:$0x3FAB] =	sst s7  }
0x10: {  	[smem:$0x3FAC] =	sst s8  }
0x11: {  	[smem:$0x3FAD] =	sst s9;
	s0 =	simm.s32 @!p0 $0x0  }
0x12: {  	s1 =	sld [smem:$0x3F93];
	s0 =	simm.s32 @p0 $0x1  }
0x13: {  	[smem:$0x3FAE] =	sst s0;
	s0 =	simm.s32 @!p1 $0x0  }
0x14: {  	s2 =	sld [smem:$0x3F92];
	s0 =	simm.s32 @p1 $0x1  }
0x15: {  	[smem:$0x3FAF] =	sst s0;
	s0 =	simm.s32 @!p2 $0x0  }
0x16: {  	s3 =	sld [smem:$0x3FDB];
	s0 =	simm.s32 @p2 $0x1  }
0x17: {  	s4 =	simm.s32 $0x1BF5;
	[smem:$0x3FB1] =	sst s0  }
0x18: {  	s0 =	sld [smem:$0x3F94];
	_ =	swait.ge [sflag:s4], $0x0  }
0x19: {  	s7 =	sld [smem:$0x3F95]  }
0x1a: {  	s8 =	sadd.s32 $0xFFFFE003, lr  }
0x1b: {  	s9 =	sadd.s32 $0xFFFFFEF7, lr;
	s5 =	simm.s32 $0xFFFFFFFF;
	p2 =	slt.u32 s8, $0xFFFFF086  }
0x1c: {  	p1 =	slt.u32 s9, $0xF7A;
	s5 =	simm.s32 @!p2 $0x0  }
0x1d: {  	s5 =	simm.s32 @p1 $0x1;
	p0 =	seq.s32 s7, s2  }
0x1e: {  	s7 =	smul.u32 @!p0 $0xF7A, s2;
	p2 =	seq.s32 @!p0 s5, $0x0  }
0x1f: {  	s9 =	smul.u32 $0xF7A, s1;
	s8 =	simm.s32 @!p0 $0x1BF5;
	p2 =	por !p2, p0  }
0x20: {  	[sflag:s8] =	ssyncset.s32 @!p0 $0xFFFFF086;
	s6 =	sadd.s32 @!p0 s3, s7;
	s7 =	simm.s32 @!p0 $0x108  }
0x21: {  	s3 =	sadd.s32 s3, s9;
	s6 =	sadd.s32 @!p0 $0x88, s6;
	s7 =	simm.s32 @p2 $0x1082  }
0x22: {  	[simem:s7], [sflag:s8] =	dma.local @!p0 [hbm:s6], $0xF7A  }
0x23: {  	s9 =	sor.u32 $0xD0000000, s2;
	s6 =	simm.s32 $0x108;
	_ =	swait.ge @!p0 [sflag:s8], $0x0  }
0x24: {  	s3 =	sadd.s32 $0x88, s3;
	s6 =	simm.s32 @!p1 $0x1082;
	[sflag:s4] =	ssyncset.s32 $0xFFFFF086  }
0x25: {  	[simem:s6], [sflag:s4] =	dma.local [hbm:s3], $0xF7A  }
0x26: {  	[smem:$0x3F95] =	sst s1;
	(tag) =	ssettag s2;
	_ =	strace s9  }
0x27: {  	s1 =	sld [smem:$0x3FA5]  }
0x28: {  	s2 =	sld [smem:$0x3FA6]  }
0x29: {  	s4 =	sld [smem:$0x3FA8]  }
0x2a: {  	p0 =	seq.s32 s5, $0x0;
	s5 =	sld [smem:$0x3FA9]  }
0x2b: {  	s6 =	sld [smem:$0x3FAA]  }
0x2c: {  	s7 =	sld [smem:$0x3FAB]  }
0x2d: {  	s3 =	simm.s32 $0x108;
	s8 =	sld [smem:$0x3FAC]  }
0x2e: {  	s3 =	simm.s32 @!p0 $0x1082;
	s9 =	sld [smem:$0x3FAD]  }
0x2f: {  	lr =	sadd.s32 s0, s3;
	s0 =	sld [smem:$0x3FA4]  }
0x30: {  	s3 =	sld [smem:$0x3FA7]  }
0x31: {  	[smem:$0x3FB0] =	sst s10  }
0x32: {  	s10 =	sld [smem:$0x3FAE];
	_ =	sdelay $0x3  }
0x33: {  	p0 =	seq.s32 s10, $0x1;
	s10 =	sld [smem:$0x3FB0];
	_ =	sdelay $0x3  }
0x34: {  	[smem:$0x3FB0] =	sst s10  }
0x35: {  	s10 =	sld [smem:$0x3FAF];
	_ =	sdelay $0x3  }
0x36: {  	p1 =	seq.s32 s10, $0x1;
	s10 =	sld [smem:$0x3FB0];
	_ =	sdelay $0x3  }
0x37: {  	[smem:$0x3FB0] =	sst s10  }
0x38: {  	s10 =	sld [smem:$0x3FB1]  }
0x39: {  	_ = 	snop;
	(pc) =	sbr.ind lr, $3  }
0x3a: {  	_ = 	snop  }
0x3b: {  	_ = 	snop  }
0x3c: {  	p2 =	seq.s32 s10, $0x1;
	s10 =	sld [smem:$0x3FB0]  }
0x3d: {  	_ =	shalt  }
0x3e: {  	_ =	shalt  }
0x3f: {  	_ =	shalt  }
0x40: {  	_ =	shalt  }
0x41: {  	_ =	shalt  }
0x42: {  	_ =	shalt  }
0x43: {  	_ =	shalt  }
0x44: {  	_ =	shalt  }
0x45: {  	_ =	shalt  }
0x46: {  	_ =	shalt  }
0x47: {  	_ =	shalt  }
0x48: {  	_ =	shalt  }
0x49: {  	_ =	shalt  }
0x4a: {  	_ =	shalt  }
0x4b: {  	_ =	shalt  }
0x4c: {  	_ =	shalt  }
0x4d: {  	_ =	shalt  }
0x4e: {  	_ =	shalt  }
0x4f: {  	_ =	shalt  }
0x50: {  	_ =	shalt  }
0x51: {  	_ =	shalt  }
0x52: {  	_ =	shalt  }
0x53: {  	_ =	shalt  }
0x54: {  	_ =	shalt  }
0x55: {  	_ =	shalt  }
0x56: {  	_ =	shalt  }
0x57: {  	_ =	shalt  }
0x58: {  	_ =	shalt  }
0x59: {  	_ =	shalt  }
0x5a: {  	_ =	shalt  }
0x5b: {  	_ =	shalt  }
0x5c: {  	_ =	shalt  }
0x5d: {  	_ =	shalt  }
0x5e: {  	_ =	shalt  }
0x5f: {  	_ =	shalt  }
0x60: {  	_ =	shalt  }
0x61: {  	_ =	shalt  }
0x62: {  	_ =	shalt  }
0x63: {  	_ =	shalt  }
0x64: {  	_ =	shalt  }
0x65: {  	_ =	shalt  }
0x66: {  	_ =	shalt  }
0x67: {  	_ =	shalt  }
0x68: {  	_ =	shalt  }
0x69: {  	_ =	shalt  }
0x6a: {  	_ =	shalt  }
0x6b: {  	_ =	shalt  }
0x6c: {  	_ =	shalt  }
0x6d: {  	_ =	shalt  }
0x6e: {  	_ =	shalt  }
0x6f: {  	_ =	shalt  }
0x70: {  	_ =	shalt  }
0x71: {  	_ =	shalt  }
0x72: {  	_ =	shalt  }
0x73: {  	_ =	shalt  }
0x74: {  	_ =	shalt  }
0x75: {  	_ =	shalt  }
0x76: {  	_ =	shalt  }
0x77: {  	_ =	shalt  }
0x78: {  	_ =	shalt  }
0x79: {  	_ =	shalt  }
0x7a: {  	_ =	shalt  }
0x7b: {  	_ =	shalt  }
0x7c: {  	_ =	shalt  }
0x7d: {  	_ =	shalt  }
0x7e: {  	_ =	shalt  }
0x7f: {  	_ =	shalt  }
0x80: {  	_ =	shalt  }
0x81: {  	_ =	shalt  }
0x82: {  	_ =	shalt  }
0x83: {  	_ =	shalt  }
0x84: {  	_ =	shalt  }
0x85: {  	_ =	shalt  }
0x86: {  	_ =	shalt  }
0x87: {  	_ =	shalt  }
.Lfunc_end0:
.L_simem_size_0:
called_computation.1_lowered:
.L_overlay_start_0:
0x88: {  	s2 =	sld [smem:$0x3FD9]  }
0x89: {  	s3 =	sld [smem:$0x3FFE];
	_ =	sdelay $0x1  }
0x8a: {  	s1 =	srdreg.scid  }
0x8b: {  	s0 =	sand.u32 $0x1, s1  }
0x8c: {  	s17 =	sshll.u32 s0, $0xA;
	s2 =	sadd.s32 s3, s2  }
0x8d: {  	s2 =	sadd.s32 s2, s17  }
0x8e: {  	[smem:$0x3FBC] =	sst s2  }
0x8f: {  	_ = 	snop  }
0x90: {  	s2 =	sld [smem:$0x3FD0];
	(tm) =	ssettm $0x1  }
0x91: {  	s18 =	sld [smem:$0x3FFB];
	_ =	sdelay $0x3  }
0x92: {  	_ =	strace s18  }
0x93: {  	s3 =	sld [smem:$0x3FFC];
	_ =	sdelay $0x3  }
0x94: {  	_ =	strace s3  }
0x95: {  	s3 =	sld [smem:$0x3FFD];
	_ =	sdelay $0x3  }
0x96: {  	_ =	strace s3  }
0x97: {  	_ =	strace $0x8FFFFFFF  }
0x98: {  	s19 =	sld [smem:$0x3FDB];
	_ =	sdelay $0x1  }
0x99: {  	s4 =	simm.s32 $_scs_section_size  }
0x9a: {  	s5 =	simm.s32 $_size__tile_overlayer_lowered;
	s6 =	simm.s32 $_tile_overlayer_lowered  }
0x9b: {  	s22 =	simm.s32 $0x1BFF;
	s21 =	sshll.u32 s6, $0x1;
	s3 =	sadd.s32 s4, s19  }
0x9c: {  	s7 =	simm.s32 $0x0;
	s20 =	sshll.u32 s5, $0x1;
	s5 =	sadd.s32 s21, s3  }
0x9d: {  	[timem:s7], [sflag:s22] =	dma.local [hbm:s5], s20  }
0x9e: {  	_ =	swait.ge [sflag:s22], s20  }
0x9f: {  	s4 =	ssub.s32 $0x0, s20;
	[sflag:s22] =	ssyncset.done $0x0  }
0xa0: {  	[sflag:s22] =	ssyncadd.s32 s4;
	_ =	sdelay $0x1  }
0xa1: {  	s23 =	simm.s32 $0x1B8B  }
0xa2: {  	_ =	swait.ge [sflag:s23], $0x1  }
0xa3: {  	[sflag:s23] =	ssyncset.done $0x0  }
0xa4: {  	s25 =	simm.s32 $0x1B8E;
	s24 =	sld [smem:$0x3FFE];
	[sflag:s23] =	ssyncadd.s32 $0xFFFFFFFF  }
0xa5: {  	s26 =	simm.s32 $execute0_lowered;
	[smem:$0x3FD2] =	sst s25  }
0xa6: {  	s5 =	sshll.u32 s26, $0x1;
	_ =	strace $0x80000049;
	[dreg:$0x1] =	wrdreg $0xFFFFFFFF  }
0xa7: {  	s28 =	simm.s32 $_size_execute0_lowered;
	s3 =	sadd.s32 s3, s5;
	[dreg:$0x0] =	wrdreg $0x0  }
0xa8: {  	s5 =	sshll.u32 s28, $0x1;
	[dreg:$0x2] =	wrdreg s3  }
0xa9: {  	[dreg:$0x3] =	wrdreg s5  }
0xaa: {  	[dreg:$0x4] =	wrdreg $0xC0  }
0xab: {  	_ =	task [dreg:s7], $0x5FFFF  }
0xac: {  	[dreg:$0x1] =	wrdreg $0xFFFFFFFF  }
0xad: {  	[dreg:$0x0] =	wrdreg $0x60  }
0xae: {  	[dreg:$0x2] =	wrdreg s24  }
0xaf: {  	[dreg:$0x3] =	wrdreg s2  }
0xb0: {  	[dreg:$0x4] =	wrdreg $0x70000  }
0xb1: {  	[dreg:$0x5] =	wrdreg $0x9  }
0xb2: {  	_ =	task.clear_ibuf [dreg:s7], $0x6FFFF;
	_ =	strace $0x90000049  }
0xb3: {  	s29 =	simm.s32 $0x9;
	_ =	strace $0x8000004B  }
0xb4: {  	_ =	swait.ge [sflag:s29], $0x1  }
0xb5: {  	[sflag:s29] =	ssyncadd.s32 $0xFFFFFFFF  }
0xb6: {  	_ =	strace $0x9000004B  }
0xb7: {  	_ =	sfence  }
0xb8: {  	s30 =	sld [smem:$0x0];
	_ =	sdelay $0x2  }
0xb9: {  	s31 =	sshll.u32 s1, $0xD;
	s1 =	sshrl.u32 s1, $0x2  }
0xba: {  	s3 =	sand.u32 $0x4000, s31;
	s1 =	sadd.s32 s1, s30  }
0xbb: {  	s0 =	sor.u32 s3, s0;
	s1 =	sshll.u32 s1, $0x11  }
0xbc: {  	s0 =	sor.u32 s1, s0  }
0xbd: {  	s0 =	sadd.s32 $0x8F2B, s0  }
0xbe: {  	[sflag:s0] =	ssyncadd.remote.s32 $0x1  }
0xbf: {  	_ =	sfence.sel $0xFFFF  }
0xc0: {  	[dreg:$0x0] =	wrdreg $0xFFFFFFFF;
	(pc) =	sbr.abs _section_cstart, $3  }
0xc1: {  	[dreg:$0x1] =	wrdreg $0xFFFFFFFF  }
0xc2: {  	_ =	task.clear_ibuf [dreg:s7], $0x2FFFF;
	_ =	strace $0x9FFFFFFF  }
0xc3: {  	(tm) =	ssettm $0x7FFFFFFF  }
tec
execute0_lowered:
.L_overlay_start_1:
0x0: {  	(tag) =	ssettag $0x1  }
0x1: {  	s0 =	rddreg [dreg:$0x0]  }
0x2: {  	s3 =	rddreg [dreg:$0x1]  }
0x3: {  	s1 =	rddreg [dreg:$0x2];
	s2 =	simm.s32 $0x0;
	s11 =	stileid.u32  }
0x4: {  	s4 =	srdreg.scid;
	s29 =	simm.s32 $0x4;
	s5 =	smul.u32 $0x62000, s11  }
0x5: {  	s30 =	simm.s32 $0x5;
	s31 =	simm.s32 $0x6;
	s14 =	smul.u32 $0x18800, s11  }
0x6: {  	[smem:$0x7FF] =	sst s2;
	s8 =	sand.u32 $0x1, s4;
	s21 =	smul.u32 $0x18600, s11  }
0x7: {  	s9 =	sadd.s32 $0x1E00, s0;
	s23 =	smul.u32 $0x30C0, s11;
	_ =	strace $0x8000004A  }
0x8: {  	s4 =	sshll.u32 s8, $0x4;
	s16 =	ssub.s32 $0x2, s8;
	s17 =	smul.u32 $0x188000, s8  }
0x9: {  	s6 =	sor.u32 s11, s4;
	s4 =	sadd.s32 $0x3D8A00, s0;
	s10 =	sshrl.u32 s16, $0x1  }
0xa: {  	s5 =	sshrl.u32 s5, $0x2;
	s22 =	sadd.s32 s14, s1;
	s7 =	smul.u32 $0xC3, s6  }
0xb: {  	s15 =	smin.u32 s6, $0xA;
	s0 =	ssub.s32 s16, s10;
	s5 =	sadd.s32 s5, s1  }
0xc: {  	p0 =	slt.u32 s6, $0xA;
	s6 =	simm.s32 $0xC4;
	s16 =	smul.u32 $0x30C00, s8  }
0xd: {  	s10 =	sadd.s32 s14, s17;
	s8 =	smul.u32 $0x186000, s8;
	s17 =	simm.s32 $0x1000  }
0xe: {  	s6 =	simm.s32 @!p0 $0xC3;
	s10 =	sshrl.u32 s10, $0x3;
	s0 =	smax.u32 s0, $0x1  }
0xf: {  	s24 =	sshll.u32 s15, $0x9;
	s7 =	sadd.s32 s15, s7;
	s3 =	sadd.s32 s3, s10  }
0x10: {  	[dreg:$0xc] =	wrdreg s0;
	s16 =	sadd.s32 s16, s9;
	s15 =	sshll.u32 s15, $0x6  }
0x11: {  	s25 =	sshll.u32 s6, $0x2;
	s7 =	sshll.u32 s7, $0x6;
	[dreg:$0xb] =	wrdreg s3  }
0x12: {  	s3 =	sadd.s32 s21, s8;
	[dreg:$0x4] =	wrdreg s25;
	s7 =	sadd.s32 s9, s7  }
0x13: {  	s0 =	sadd.s32 s23, s16;
	s12 =	sadd.s32 $0x61A80, s7;
	[dreg:$0x5] =	wrdreg s7  }
0x14: {  	s25 =	sshrl.u32 s22, $0x3;
	s18 =	sadd.s32 $0x40, s7;
	[dreg:$0x6] =	wrdreg s12  }
0x15: {  	s3 =	sadd.s32 s24, s3;
	s19 =	sadd.s32 $0x61AC0, s7;
	[dreg:$0x7] =	wrdreg s18  }
0x16: {  	s0 =	sadd.s32 s15, s0;
	s20 =	sadd.s32 $0x80, s7;
	[dreg:$0x8] =	wrdreg s19  }
0x17: {  	s24 =	simm.s32 $0x7;
	s7 =	sadd.s32 $0x61B00, s7;
	[dreg:$0x9] =	wrdreg s20  }
0x18: {  	s3 =	sadd.s32 $0x30DA00, s3;
	s0 =	sadd.s32 $0xC0, s0;
	[dreg:$0xa] =	wrdreg s7  }
0x19: {  	[dreg:$0xd] =	wrdreg s0;
	s26 =	sshrl.u32 s3, $0x3;
	s18 =	simm.s32 $0xB  }
0x1a: {  	v0 =	vimm.f32 $0.0e+00;
	s19 =	simm.s32 $0x200;
	s28 =	sadd.s32 s26, s9;
	s26 =	simm.s32 $0x8  }
.LBB2_1:
0x1b: {  	s0 =	simm.s32 $0x0  }
.LBB2_2:
0x1c: {  	p0 =	sne.s32 s0, $0x1FC0  }
.Ltmp0:
0x1d: {  	_ = 	snop;
	(pc) =	sbr.rel @p0 .LBB2_2-.Ltmp0, $3  }
0x1e: {  	_ =	sdelay $0x1  }
0x1f: {  	s3 =	sshra.s32 s0, $0x2  }
0x20: {  	s0 =	sadd.s32 $0x40, s0;
	[tilespmem:s3+$0x1000] =	vst v0  }
0x21: {  	s0 =	sadd.s32 $0x0, s5  }
0x22: {  	[spmem:s0] =	stream.linear.scatter [tilespmem:s17], [sflag:$0xB], $0x800, $0x38;
	[tilespmem:$0x1F800] =	vst v63  }
0x23: {  	s0 =	simm.s32 $0x2000;
	_ =	swait.ge [sflag:s18], $0x800  }
.LBB2_4:
0x24: {  	s3 =	sshra.s32 s0, $0x2;
	[sflag:s18] =	ssyncset.done $0x0;
	p0 =	sne.s32 s0, $0x60000  }
.Ltmp1:
0x25: {  	s3 =	sadd.s32 s3, s5;
	[sflag:s18] =	ssyncadd.s32 $0xFFFFF800;
	(pc) =	sbr.rel @p0 .LBB2_4-.Ltmp1, $3  }
0x26: {  	[spmem:s3] =	stream.linear.scatter [tilespmem:s17], [sflag:$0xB], $0x800, $0x38;
	[tilespmem:$0x1F800] =	vst v63  }
0x27: {  	s0 =	sadd.s32 $0x2000, s0;
	_ =	sdelay $0x1  }
0x28: {  	_ =	swait.ge [sflag:s18], $0x800  }
0x29: {  	[sflag:s18] =	ssyncset.done $0x0  }
0x2a: {  	[sflag:s18] =	ssyncadd.s32 $0xFFFFF800  }
0x2b: {  	[bflag:$0x0] =	sbarrier.arrive $0xFFFF  }
0x2c: {  	s0 =	simm.s32 $0x0;
	s3 =	rddreg [dreg:$0x5]  }
0x2d: {  	[tilespmem:s0], [sflag:$0x7] =	stream.linear.gather [hbm4b:s3+s0], $0x200, $0x38;
	[tilespmem:$0x1F800] =	vst v63  }
0x2e: {  	s13 =	rddreg [dreg:$0x6]  }
0x2f: {  	[tilespmem:s19], [sflag:$0x7] =	stream.linear.gather [hbm4b:s13+s0], $0x200, $0x38;
	[tilespmem:$0x1F800] =	vst v63  }
0x30: {  	s7 =	simm.s32 $0x400;
	s14 =	rddreg [dreg:$0x7]  }
0x31: {  	[tilespmem:s7], [sflag:$0x8] =	stream.linear.gather [hbm4b:s14+s0], $0x200, $0x38;
	[tilespmem:$0x1F800] =	vst v63  }
0x32: {  	s8 =	simm.s32 $0x600;
	s15 =	rddreg [dreg:$0x8]  }
0x33: {  	[tilespmem:s8], [sflag:$0x8] =	stream.linear.gather [hbm4b:s15+s0], $0x200, $0x38;
	[tilespmem:$0x1F800] =	vst v63  }
0x34: {  	s20 =	simm.s32 $0x800;
	s16 =	rddreg [dreg:$0x9]  }
0x35: {  	[tilespmem:s20], [sflag:$0x9] =	stream.linear.gather [hbm4b:s16+s0], $0x200, $0x38;
	[tilespmem:$0x1F800] =	vst v63  }
0x36: {  	s22 =	simm.s32 $0xA00;
	s21 =	rddreg [dreg:$0xa]  }
0x37: {  	[tilespmem:s22], [sflag:$0x9] =	stream.linear.gather [hbm4b:s21+s0], $0x200, $0x38;
	[tilespmem:$0x1F800] =	vst v63  }
0x38: {  	_ =	swait.ge [sflag:s24], $0x200  }
0x39: {  	[sflag:s24] =	ssyncset.done $0x0  }
0x3a: {  	[sflag:s24] =	ssyncadd.s32 $0xFFFFFE00  }
0x3b: {  	_ =	swait.ge [sflag:s24], $0x200  }
0x3c: {  	[sflag:s24] =	ssyncset.done $0x0  }
0x3d: {  	s3 =	simm.s32 $0x1000;
	[sflag:s24] =	ssyncadd.s32 $0xFFFFFE00  }
0x3e: {  	[tilespmem:s3], [sflag:$0x1] =	stream.indirect.gather [hbm4b:s4+s19], $0x10, s0, s19, $0xb8;
	[tilespmem:$0x1F800] =	vst v63  }
0x3f: {  	_ =	swait.ge [sflag:s26], $0x200  }
0x40: {  	[sflag:s26] =	ssyncset.done $0x0  }
0x41: {  	[sflag:s26] =	ssyncadd.s32 $0xFFFFFE00  }
0x42: {  	s23 =	simm.s32 $0x3000;
	_ =	swait.ge [sflag:s26], $0x200  }
0x43: {  	s9 =	simm.s32 $0x0;
	s10 =	simm.s32 $0x0;
	[sflag:s26] =	ssyncset.done $0x0  }
0x44: {  	s16 =	smov.u32 s28;
	s21 =	simm.s32 $0x3;
	[sflag:s26] =	ssyncadd.s32 $0xFFFFFE00  }
0x45: {  	[tilespmem:s23], [sflag:$0x2] =	stream.indirect.gather [hbm4b:s4+s19], $0x10, s7, s19, $0xb8;
	[tilespmem:$0x1F800] =	vst v63  }
0x46: {  	s22 =	simm.s32 $0x2;
	s15 =	rddreg [dreg:$0xd];
	s23 =	simm.s32 $0x5000  }
.LBB2_6:
0x47: {  	s11 =	smulhi.u32 $0xAAAAAAAB, s22;
	_ =	sdelay $0x1  }
0x48: {  	s12 =	sadd.s32 $0xFFFFFFFF, s21;
	s11 =	sshrl.u32 s11, $0x1  }
0x49: {  	p0 =	sge.u32 s12, s6;
	s13 =	smul.u32 $0xFFFFFFF4, s11  }
0x4a: {  	p1 =	seq.s32 @!p0 s9, $0x0  }
0x4b: {  	p1 =	por p1, p0;
	s13 =	sshra.s32 s13, $0x2  }
0x4c: {  	s8 =	sshra.s32 @!p1 s9, $0x2;
	s14 =	sadd.s32 $0x6, s13  }
0x4d: {  	s8 =	sadd.s32 @!p1 s8, s14  }
0x4e: {  	_ =	swait.ge @!p1 [sflag:s8], $0x2000  }
0x4f: {  	p2 =	sge.u32 @!p0 s21, s6;
	[sflag:s8] =	ssyncset.done @!p1 $0x0  }
0x50: {  	[sflag:s8] =	ssyncadd.s32 @!p1 $0xFFFFE000;
	s8 =	sand.u32 $0x3, s21;
	p1 =	por p2, p0  }
0x51: {  	s14 =	sadd.s32 @!p1 $0x7, s8;
	s8 =	sshll.u32 @!p1 s8, $0xA;
	s7 =	simm.s32 @!p1 $0x0  }
0x52: {  	[tilespmem:s8], [sflag:s14] =	stream.linear.gather @!p1 [hbm4b:s15+s7], $0x200, $0x38;
	[tilespmem:$0x1F800] =	vst v63  }
0x53: {  	s12 =	sand.u32 $0x3, s12;
	s8 =	sor.u32 @!p1 $0x200, s8  }
0x54: {  	[tilespmem:s8], [sflag:s14] =	stream.linear.gather @!p1 [hbm4b:s16+s7], $0x200, $0x38;
	[tilespmem:$0x1F800] =	vst v63  }
0x55: {  	s20 =	smulhi.u32 $0xAAAAAAAB, s10;
	s7 =	sadd.s32 @!p0 $0x7, s12  }
0x56: {  	s14 =	smul.u32 $0xFFFE8000, s11;
	_ =	swait.ge @!p0 [sflag:s7], $0x200  }
0x57: {  	s13 =	sadd.s32 $0x3, s13;
	s11 =	sshrl.u32 s20, $0x1;
	[sflag:s7] =	ssyncset.done @!p0 $0x0  }
0x58: {  	s20 =	smul.u32 $0xFFFFFFF4, s11;
	s8 =	sshra.s32 s14, $0x2;
	[sflag:s7] =	ssyncadd.s32 @!p0 $0xFFFFFE00  }
0x59: {  	s12 =	sshll.u32 @!p0 s12, $0xA;
	s8 =	sadd.s32 s8, s23;
	_ =	swait.ge @!p0 [sflag:s7], $0x200  }
0x5a: {  	s14 =	sshra.s32 s20, $0x2;
	s20 =	sshra.s32 @!p0 s9, $0x2;
	[sflag:s7] =	ssyncset.done @!p0 $0x0  }
0x5b: {  	[sflag:s7] =	ssyncadd.s32 @!p0 $0xFFFFFE00;
	s7 =	sadd.s32 @!p0 s20, s13;
	s13 =	simm.s32 @!p0 $0x200  }
0x5c: {  	[tilespmem:s8], [sflag:s7] =	stream.indirect.gather @!p0 [hbm4b:s4+s13], $0x10, s12, s13, $0xb8;
	[tilespmem:$0x1F800] =	vst v63  }
0x5d: {  	s8 =	sadd.s32 $0x1, s14;
	s13 =	smul.u32 $0xFFFE8000, s11;
	s11 =	sshra.s32 s9, $0x2  }
0x5e: {  	s10 =	sadd.s32 $0x1, s10;
	s7 =	sadd.s32 s11, s8  }
0x5f: {  	s20 =	sand.u32 $0x3000, s0;
	s9 =	sadd.s32 $0x4, s9;
	_ =	swait.ge [sflag:s7], $0x2000  }
0x60: {  	s8 =	sshra.s32 s13, $0x2;
	s13 =	sshrl.u32 s20, $0x2;
	s20 =	rddreg [dreg:$0x4]  }
0x61: {  	s22 =	sadd.s32 $0x1, s22;
	s21 =	sadd.s32 $0x1, s21;
	p0 =	sne.s32 s20, s9  }
.Ltmp2:
0x62: {  	s15 =	sadd.s32 $0x40, s15;
	s16 =	sadd.s32 $0x40, s16;
	(pc) =	sbr.rel @p0 .LBB2_6-.Ltmp2, $4  }
0x63: {  	s23 =	sadd.s32 $0x2000, s23;
	s0 =	sadd.s32 $0x1000, s0;
	s12 =	sadd.s32 $0x4, s14  }
0x64: {  	s11 =	sadd.s32 s11, s12;
	s8 =	sadd.s32 s8, s3;
	[sflag:s7] =	ssyncset.done $0x0  }
0x65: {  	s14 =	sor.u32 $0x200, s13;
	s3 =	sadd.s32 $0x2000, s3;
	[sflag:s7] =	ssyncadd.s32 $0xFFFFE000  }
0x66: {  	[spmem:s1] =	stream.indirect.scatter.add.f32 [tilespmem:s8], [sflag:s11], $0x10, s14, s19, $0xb8;
	[tilespmem:$0x1F800] =	vst v63  }
0x67: {  	_ =	swait.ge [sflag:s29], $0x2000  }
0x68: {  	[sflag:s29] =	ssyncset.done $0x0  }
0x69: {  	[sflag:s29] =	ssyncadd.s32 $0xFFFFE000  }
0x6a: {  	_ =	swait.ge [sflag:s30], $0x2000  }
0x6b: {  	[sflag:s30] =	ssyncset.done $0x0  }
0x6c: {  	[sflag:s30] =	ssyncadd.s32 $0xFFFFE000  }
0x6d: {  	_ =	swait.ge [sflag:s31], $0x2000  }
0x6e: {  	[sflag:s31] =	ssyncset.done $0x0  }
0x6f: {  	s0 =	stileid.u32;
	[sflag:s31] =	ssyncadd.s32 $0xFFFFE000  }
0x70: {  	s0 =	sshll.u32 s0, $0x6;
	[bflag:$0x0] =	sbarrier.arrive $0xFFFF  }
0x71: {  	s0 =	sor.u32 $0x1C0B, s0;
	s3 =	rddreg [dreg:$0xb]  }
0x72: {  	[hbm:s3], [sflag:s0] =	dma.local [spmem:s25], $0x3100  }
0x73: {  	_ =	swait.ge [sflag:s18], $0x3100  }
0x74: {  	s2 =	sadd.s32 $0x1, s2;
	s23 =	rddreg [dreg:$0xc]  }
0x75: {  	p0 =	sne.s32 s2, s23  }
.Ltmp3:
0x76: {  	_ = 	snop;
	(pc) =	sbr.rel @p0 .LBB2_1-.Ltmp3, $3  }
0x77: {  	_ =	sdelay $0x1  }
0x78: {  	[sflag:s18] =	ssyncset.done $0x0  }
0x79: {  	[sflag:s18] =	ssyncadd.s32 $0xFFFFCF00  }
0x7a: {  	_ =	sfence.sel $0x180000  }
0x7b: {  	[bflag:$0x0] =	sbarrier.arrive $0xFFFF  }
0x7c: {  	_ =	strace $0x9000004A  }
0x7d: {  	s0 =	stileid.u32;
	[bflag:$0x2] =	sbarrier.arrive $0xFFFF  }
0x7e: {  	p0 =	sne.s32 s0, $0x0;
	s0 =	rddreg [dreg:$0x3]  }
0x7f: {  	s0 =	sadd.s32 @!p0 $0x100000, s0  }
0x80: {  	[sflag:s0] =	ssyncadd.tile.s32 @!p0 $0x1;
	_ =	shalt  }
.Lfunc_end2:
_tile_overlayer_lowered:
.L_overlay_start_2:
0x81: {  	(tag) =	ssettag $0x2  }
0x82: {  	s0 =	rddreg [dreg:$0x0];
	s2 =	stileid.u32  }
0x83: {  	s1 =	rddreg [dreg:$0x1];
	p0 =	sne.s32 s2, $0x0  }
0x84: {  	s3 =	rddreg [dreg:$0x2];
	[bflag:$0x3] =	sbarrier.arrive $0xFFFF;
	s2 =	simm.s32 @!p0 $0x1C0B  }
0x85: {  	[timem:s3], [sflag:s2] =	dma.local @!p0 [hbm:s0], s1  }
0x86: {  	s0 =	simm.s32 @!p0 $0xB  }
0x87: {  	_ =	swait.ge @!p0 [sflag:s0], s1  }
0x88: {  	s1 =	ssub.s32 @!p0 $0x0, s1;
	[sflag:s0] =	ssyncset.done @!p0 $0x0  }
0x89: {  	[sflag:s0] =	ssyncadd.s32 @!p0 s1  }
0x8a: {  	[bflag:$0x3] =	sbarrier.arrive $0xFFFF  }
0x8b: {  	_ =	shalt  }

// kernel: kernel.7.cloned.1.call-start
scs
__scs_entry_jumppad:
0x0: {  	(pc) =	sbr.rel $0x88, $3  }
0x1: {  	(tag) =	ssettag $0x0;
	lr =	simm.s32 $0x1  }
0x2: {  	[smem:$0x3F95] =	sst lr;
	_ =	strace $0xD0000000  }
0x3: {  	_ = 	snop  }
0x4: {  	_ = 	snop  }
0x5: {  	_ = 	snop  }
0x6: {  	_ = 	snop  }
0x7: {  	_ = 	snop  }
__scs_overlays_trampoline_lowered:
0x8: {  	[smem:$0x3FA4] =	sst s0  }
0x9: {  	[smem:$0x3FA5] =	sst s1  }
0xa: {  	[smem:$0x3FA6] =	sst s2  }
0xb: {  	[smem:$0x3FA7] =	sst s3  }
0xc: {  	[smem:$0x3FA8] =	sst s4  }
0xd: {  	[smem:$0x3FA9] =	sst s5  }
0xe: {  	[smem:$0x3FAA] =	sst s6  }
0xf: {  	[smem:$0x3FAB] =	sst s7  }
0x10: {  	[smem:$0x3FAC] =	sst s8  }
0x11: {  	[smem:$0x3FAD] =	sst s9;
	s0 =	simm.s32 @!p0 $0x0  }
0x12: {  	s1 =	sld [smem:$0x3F93];
	s0 =	simm.s32 @p0 $0x1  }
0x13: {  	[smem:$0x3FAE] =	sst s0;
	s0 =	simm.s32 @!p1 $0x0  }
0x14: {  	s2 =	sld [smem:$0x3F92];
	s0 =	simm.s32 @p1 $0x1  }
0x15: {  	[smem:$0x3FAF] =	sst s0;
	s0 =	simm.s32 @!p2 $0x0  }
0x16: {  	s3 =	sld [smem:$0x3FDB];
	s0 =	simm.s32 @p2 $0x1  }
0x17: {  	s4 =	simm.s32 $0x1BF5;
	[smem:$0x3FB1] =	sst s0  }
0x18: {  	s0 =	sld [smem:$0x3F94];
	_ =	swait.ge [sflag:s4], $0x0  }
0x19: {  	s7 =	sld [smem:$0x3F95]  }
0x1a: {  	s8 =	sadd.s32 $0xFFFFE003, lr  }
0x1b: {  	s9 =	sadd.s32 $0xFFFFFEF7, lr;
	s5 =	simm.s32 $0xFFFFFFFF;
	p2 =	slt.u32 s8, $0xFFFFF086  }
0x1c: {  	p1 =	slt.u32 s9, $0xF7A;
	s5 =	simm.s32 @!p2 $0x0  }
0x1d: {  	s5 =	simm.s32 @p1 $0x1;
	p0 =	seq.s32 s7, s2  }
0x1e: {  	s7 =	smul.u32 @!p0 $0xF7A, s2;
	p2 =	seq.s32 @!p0 s5, $0x0  }
0x1f: {  	s9 =	smul.u32 $0xF7A, s1;
	s8 =	simm.s32 @!p0 $0x1BF5;
	p2 =	por !p2, p0  }
0x20: {  	[sflag:s8] =	ssyncset.s32 @!p0 $0xFFFFF086;
	s6 =	sadd.s32 @!p0 s3, s7;
	s7 =	simm.s32 @!p0 $0x108  }
0x21: {  	s3 =	sadd.s32 s3, s9;
	s6 =	sadd.s32 @!p0 $0x88, s6;
	s7 =	simm.s32 @p2 $0x1082  }
0x22: {  	[simem:s7], [sflag:s8] =	dma.local @!p0 [hbm:s6], $0xF7A  }
0x23: {  	s9 =	sor.u32 $0xD0000000, s2;
	s6 =	simm.s32 $0x108;
	_ =	swait.ge @!p0 [sflag:s8], $0x0  }
0x24: {  	s3 =	sadd.s32 $0x88, s3;
	s6 =	simm.s32 @!p1 $0x1082;
	[sflag:s4] =	ssyncset.s32 $0xFFFFF086  }
0x25: {  	[simem:s6], [sflag:s4] =	dma.local [hbm:s3], $0xF7A  }
0x26: {  	[smem:$0x3F95] =	sst s1;
	(tag) =	ssettag s2;
	_ =	strace s9  }
0x27: {  	s1 =	sld [smem:$0x3FA5]  }
0x28: {  	s2 =	sld [smem:$0x3FA6]  }
0x29: {  	s4 =	sld [smem:$0x3FA8]  }
0x2a: {  	p0 =	seq.s32 s5, $0x0;
	s5 =	sld [smem:$0x3FA9]  }
0x2b: {  	s6 =	sld [smem:$0x3FAA]  }
0x2c: {  	s7 =	sld [smem:$0x3FAB]  }
0x2d: {  	s3 =	simm.s32 $0x108;
	s8 =	sld [smem:$0x3FAC]  }
0x2e: {  	s3 =	simm.s32 @!p0 $0x1082;
	s9 =	sld [smem:$0x3FAD]  }
0x2f: {  	lr =	sadd.s32 s0, s3;
	s0 =	sld [smem:$0x3FA4]  }
0x30: {  	s3 =	sld [smem:$0x3FA7]  }
0x31: {  	[smem:$0x3FB0] =	sst s10  }
0x32: {  	s10 =	sld [smem:$0x3FAE];
	_ =	sdelay $0x3  }
0x33: {  	p0 =	seq.s32 s10, $0x1;
	s10 =	sld [smem:$0x3FB0];
	_ =	sdelay $0x3  }
0x34: {  	[smem:$0x3FB0] =	sst s10  }
0x35: {  	s10 =	sld [smem:$0x3FAF];
	_ =	sdelay $0x3  }
0x36: {  	p1 =	seq.s32 s10, $0x1;
	s10 =	sld [smem:$0x3FB0];
	_ =	sdelay $0x3  }
0x37: {  	[smem:$0x3FB0] =	sst s10  }
0x38: {  	s10 =	sld [smem:$0x3FB1]  }
0x39: {  	_ = 	snop;
	(pc) =	sbr.ind lr, $3  }
0x3a: {  	_ = 	snop  }
0x3b: {  	_ = 	snop  }
0x3c: {  	p2 =	seq.s32 s10, $0x1;
	s10 =	sld [smem:$0x3FB0]  }
0x3d: {  	_ =	shalt  }
0x3e: {  	_ =	shalt  }
0x3f: {  	_ =	shalt  }
0x40: {  	_ =	shalt  }
0x41: {  	_ =	shalt  }
0x42: {  	_ =	shalt  }
0x43: {  	_ =	shalt  }
0x44: {  	_ =	shalt  }
0x45: {  	_ =	shalt  }
0x46: {  	_ =	shalt  }
0x47: {  	_ =	shalt  }
0x48: {  	_ =	shalt  }
0x49: {  	_ =	shalt  }
0x4a: {  	_ =	shalt  }
0x4b: {  	_ =	shalt  }
0x4c: {  	_ =	shalt  }
0x4d: {  	_ =	shalt  }
0x4e: {  	_ =	shalt  }
0x4f: {  	_ =	shalt  }
0x50: {  	_ =	shalt  }
0x51: {  	_ =	shalt  }
0x52: {  	_ =	shalt  }
0x53: {  	_ =	shalt  }
0x54: {  	_ =	shalt  }
0x55: {  	_ =	shalt  }
0x56: {  	_ =	shalt  }
0x57: {  	_ =	shalt  }
0x58: {  	_ =	shalt  }
0x59: {  	_ =	shalt  }
0x5a: {  	_ =	shalt  }
0x5b: {  	_ =	shalt  }
0x5c: {  	_ =	shalt  }
0x5d: {  	_ =	shalt  }
0x5e: {  	_ =	shalt  }
0x5f: {  	_ =	shalt  }
0x60: {  	_ =	shalt  }
0x61: {  	_ =	shalt  }
0x62: {  	_ =	shalt  }
0x63: {  	_ =	shalt  }
0x64: {  	_ =	shalt  }
0x65: {  	_ =	shalt  }
0x66: {  	_ =	shalt  }
0x67: {  	_ =	shalt  }
0x68: {  	_ =	shalt  }
0x69: {  	_ =	shalt  }
0x6a: {  	_ =	shalt  }
0x6b: {  	_ =	shalt  }
0x6c: {  	_ =	shalt  }
0x6d: {  	_ =	shalt  }
0x6e: {  	_ =	shalt  }
0x6f: {  	_ =	shalt  }
0x70: {  	_ =	shalt  }
0x71: {  	_ =	shalt  }
0x72: {  	_ =	shalt  }
0x73: {  	_ =	shalt  }
0x74: {  	_ =	shalt  }
0x75: {  	_ =	shalt  }
0x76: {  	_ =	shalt  }
0x77: {  	_ =	shalt  }
0x78: {  	_ =	shalt  }
0x79: {  	_ =	shalt  }
0x7a: {  	_ =	shalt  }
0x7b: {  	_ =	shalt  }
0x7c: {  	_ =	shalt  }
0x7d: {  	_ =	shalt  }
0x7e: {  	_ =	shalt  }
0x7f: {  	_ =	shalt  }
0x80: {  	_ =	shalt  }
0x81: {  	_ =	shalt  }
0x82: {  	_ =	shalt  }
0x83: {  	_ =	shalt  }
0x84: {  	_ =	shalt  }
0x85: {  	_ =	shalt  }
0x86: {  	_ =	shalt  }
0x87: {  	_ =	shalt  }
.Lfunc_end0:
.L_simem_size_0:
called_computation_lowered:
.L_overlay_start_0:
0x88: {  	s2 =	sld [smem:$0x3FD9]  }
0x89: {  	s3 =	sld [smem:$0x3FFE];
	_ =	sdelay $0x1  }
0x8a: {  	s1 =	srdreg.scid  }
0x8b: {  	s0 =	sand.u32 $0x1, s1  }
0x8c: {  	s16 =	sshll.u32 s0, $0xA;
	s2 =	sadd.s32 s3, s2  }
0x8d: {  	s2 =	sadd.s32 s2, s16  }
0x8e: {  	[smem:$0x3FBC] =	sst s2  }
0x8f: {  	_ = 	snop  }
0x90: {  	(tm) =	ssettm $0x1  }
0x91: {  	s17 =	sld [smem:$0x3FFB];
	_ =	sdelay $0x3  }
0x92: {  	_ =	strace s17  }
0x93: {  	s2 =	sld [smem:$0x3FFC];
	_ =	sdelay $0x3  }
0x94: {  	_ =	strace s2  }
0x95: {  	s2 =	sld [smem:$0x3FFD];
	_ =	sdelay $0x3  }
0x96: {  	_ =	strace s2  }
0x97: {  	_ =	strace $0x8FFFFFFF  }
0x98: {  	s18 =	sld [smem:$0x3FDB];
	_ =	sdelay $0x1  }
0x99: {  	s19 =	simm.s32 $_scs_section_size  }
0x9a: {  	s4 =	simm.s32 $_size__tile_overlayer_lowered;
	s5 =	simm.s32 $_tile_overlayer_lowered  }
0x9b: {  	s22 =	simm.s32 $0x1BFF;
	s21 =	sshll.u32 s5, $0x1;
	s2 =	sadd.s32 s19, s18  }
0x9c: {  	s6 =	simm.s32 $0x0;
	s20 =	sshll.u32 s4, $0x1;
	s4 =	sadd.s32 s21, s2  }
0x9d: {  	[timem:s6], [sflag:s22] =	dma.local [hbm:s4], s20  }
0x9e: {  	_ =	swait.ge [sflag:s22], s20  }
0x9f: {  	s3 =	ssub.s32 $0x0, s20;
	[sflag:s22] =	ssyncset.done $0x0  }
0xa0: {  	[sflag:s22] =	ssyncadd.s32 s3;
	_ =	sdelay $0x1  }
0xa1: {  	s23 =	simm.s32 $0x1B8B  }
0xa2: {  	_ =	swait.ge [sflag:s23], $0x1  }
0xa3: {  	[sflag:s23] =	ssyncset.done $0x0  }
0xa4: {  	s25 =	simm.s32 $0x1B8E;
	s24 =	sld [smem:$0x3FFE];
	[sflag:s23] =	ssyncadd.s32 $0xFFFFFFFF  }
0xa5: {  	s26 =	simm.s32 $execute0_lowered;
	[smem:$0x3FD2] =	sst s25  }
0xa6: {  	s4 =	sshll.u32 s26, $0x1;
	_ =	strace $0x80000046;
	[dreg:$0x1] =	wrdreg $0xFFFFFFFF  }
0xa7: {  	s28 =	simm.s32 $_size_execute0_lowered;
	s2 =	sadd.s32 s2, s4;
	[dreg:$0x0] =	wrdreg $0x0  }
0xa8: {  	s4 =	sshll.u32 s28, $0x1;
	[dreg:$0x2] =	wrdreg s2  }
0xa9: {  	[dreg:$0x3] =	wrdreg s4  }
0xaa: {  	[dreg:$0x4] =	wrdreg $0xC0  }
0xab: {  	_ =	task [dreg:s6], $0x5FFFF  }
0xac: {  	[dreg:$0x1] =	wrdreg $0xFFFFFFFF  }
0xad: {  	[dreg:$0x0] =	wrdreg $0x60  }
0xae: {  	[dreg:$0x2] =	wrdreg s24  }
0xaf: {  	[dreg:$0x3] =	wrdreg $0x2C800  }
0xb0: {  	[dreg:$0x4] =	wrdreg $0x9  }
0xb1: {  	_ =	task.clear_ibuf [dreg:s6], $0x5FFFF;
	_ =	strace $0x90000046  }
0xb2: {  	s29 =	simm.s32 $0x9;
	_ =	strace $0x80000048  }
0xb3: {  	_ =	swait.ge [sflag:s29], $0x1  }
0xb4: {  	[sflag:s29] =	ssyncadd.s32 $0xFFFFFFFF  }
0xb5: {  	_ =	strace $0x90000048  }
0xb6: {  	_ =	sfence  }
0xb7: {  	s30 =	sld [smem:$0x0];
	_ =	sdelay $0x2  }
0xb8: {  	s31 =	sshll.u32 s1, $0xD;
	s1 =	sshrl.u32 s1, $0x2  }
0xb9: {  	s3 =	sand.u32 $0x4000, s31;
	s1 =	sadd.s32 s1, s30  }
0xba: {  	s0 =	sor.u32 s3, s0;
	s1 =	sshll.u32 s1, $0x11  }
0xbb: {  	s0 =	sor.u32 s1, s0  }
0xbc: {  	s0 =	sadd.s32 $0x8F2B, s0  }
0xbd: {  	[sflag:s0] =	ssyncadd.remote.s32 $0x1  }
0xbe: {  	_ =	sfence.sel $0xFFFF  }
0xbf: {  	[dreg:$0x0] =	wrdreg $0xFFFFFFFF;
	(pc) =	sbr.abs _section_cstart, $3  }
0xc0: {  	[dreg:$0x1] =	wrdreg $0xFFFFFFFF  }
0xc1: {  	_ =	task.clear_ibuf [dreg:s6], $0x2FFFF;
	_ =	strace $0x9FFFFFFF  }
0xc2: {  	(tm) =	ssettm $0x7FFFFFFF  }
0xc3: {  	_ =	shalt  }
tec
execute0_lowered:
.L_overlay_start_1:
0x0: {  	(tag) =	ssettag $0x1  }
0x1: {  	s4 =	rddreg [dreg:$0x0]  }
0x2: {  	s2 =	rddreg [dreg:$0x1]  }
0x3: {  	s3 =	srdreg.scid;
	s0 =	stileid.u32  }
0x4: {  	s15 =	simm.s32 $0x1;
	s16 =	simm.s32 $0xF00;
	s5 =	smul.u32 $0x1880, s0  }
0x5: {  	s6 =	sand.u32 $0x1, s3;
	s3 =	simm.s32 $0x0;
	s28 =	smul.u32 $0x18600, s0  }
0x6: {  	s12 =	sadd.s32 $0x1E00, s4;
	s7 =	sshll.u32 s6, $0x4;
	s8 =	smul.u32 $0x18800, s6  }
0x7: {  	[smem:$0x7FF] =	sst s3;
	s10 =	ssub.s32 $0x2, s6;
	s26 =	smul.u32 $0x186000, s6  }
0x8: {  	s7 =	sor.u32 s0, s7;
	_ =	strace $0x80000047;
	s13 =	sshrl.u32 s10, $0x1  }
0x9: {  	[dreg:$0x3] =	wrdreg s16;
	s9 =	smul.u32 $0x4E, s7;
	s8 =	sadd.s32 s5, s8  }
0xa: {  	s11 =	smin.u32 s7, $0x4;
	s13 =	ssub.s32 s10, s13;
	p0 =	slt.u32 s7, $0x4  }
0xb: {  	p1 =	sgt.u32 s7, $0x3;
	s8 =	sshrl.u32 s8, $0x3;
	s29 =	smul.u32 $0x500, s11  }
0xc: {  	s15 =	simm.s32 @!p1 $0x0;
	s9 =	sadd.s32 s11, s9;
	s14 =	sadd.s32 s8, s4  }
0xd: {  	s4 =	sadd.s32 s5, s2;
	s5 =	simm.s32 $0x4E;
	s11 =	simm.s32 $0x1  }
0xe: {  	s8 =	sadd.s32 s28, s26;
	s24 =	smul.u32 $0x500, s9;
	s5 =	simm.s32 @!p1 $0x4F  }
0xf: {  	s11 =	simm.s32 @!p0 $0x0;
	s10 =	sadd.s32 s29, s8;
	s8 =	sor.u32 $0x4, s15  }
0x10: {  	s15 =	simm.s32 $0x500;
	s9 =	sor.u32 $0x4, s11;
	s30 =	sadd.s32 $0x30DE00, s10  }
0x11: {  	s10 =	sadd.s32 $0xC5400, s14;
	s11 =	smax.u32 s13, $0x1;
	s25 =	sshrl.u32 s24, $0x3  }
0x12: {  	s14 =	simm.s32 $0x6;
	s31 =	sshrl.u32 s30, $0x3;
	s7 =	sadd.s32 s12, s25  }
0x13: {  	v0 =	vimm.f32 $0.0e+00;
	v1 =	vimm.f32 $1.000000000e+00;
	s12 =	sadd.s32 s31, s12;
	s6 =	sadd.s32 $0x61A80, s7;
	s7 =	sadd.s32 $0x61B20, s7  }
.LBB2_1:
0x14: {  	s16 =	simm.s32 $0x40;
	s17 =	simm.s32 $0x0  }
.LBB2_2:
0x15: {  	p0 =	sne.s32 s16, $0x61C0;
	[tilespmem:s17+$0x1400] =	vst v0;
	s17 =	smov.u32 s16;
	s16 =	sadd.s32 $0x40, s16  }
.Ltmp0:
0x16: {  	(pc) =	sbr.rel @p0 .LBB2_2-.Ltmp0, $2  }
0x17: {  	_ =	sdelay $0x2  }
0x18: {  	s17 =	sshra.s32 s17, $0x2  }
0x19: {  	[tilespmem:s17+$0x1400] =	vst v0;
	s0 =	simm.s32 $0x1400  }
0x1a: {  	[spmem:s4] =	stream.linear.scatter [tilespmem:s0], [sflag:$0x6], $0x1880, $0x38;
	[tilespmem:$0x4500] =	vst v63  }
0x1b: {  	_ =	swait.ge [sflag:s14], $0x1880  }
0x1c: {  	[sflag:s14] =	ssyncset.done $0x0  }
0x1d: {  	s16 =	simm.s32 $0x40;
	s17 =	simm.s32 $0x0;
	[sflag:s14] =	ssyncadd.s32 $0xFFFFE780  }
.LBB2_4:
0x1e: {  	p0 =	sne.s32 s16, $0x13C0;
	[tilespmem:s17+$0xF00] =	vst v1;
	s17 =	smov.u32 s16;
	s16 =	sadd.s32 $0x40, s16  }
.Ltmp1:
0x1f: {  	(pc) =	sbr.rel @p0 .LBB2_4-.Ltmp1, $2  }
0x20: {  	_ =	sdelay $0x2  }
0x21: {  	s17 =	sshra.s32 s17, $0x2  }
0x22: {  	s24 =	simm.s32 $0x0;
	s18 =	simm.s32 $0x2;
	s16 =	simm.s32 $0x1  }
0x23: {  	[tilespmem:s17+$0xF00] =	vst v1;
	p1 =	sle.u32 s5, $0x2;
	p0 =	sne.s32 s5, $0x1;
	s17 =	simm.s32 $0x500  }
0x24: {  	s19 =	simm.s32 $0xF00;
	[bflag:$0x0] =	sbarrier.arrive $0xFFFF;
	s20 =	smulhi.u32 $0xAAAAAAAB, s18  }
0x25: {  	[tilespmem:s24], [sflag:$0x1] =	stream.linear.gather [hbm4b:s6+s24], $0x500, $0x38;
	[tilespmem:$0x4500] =	vst v63  }
0x26: {  	p2 =	por @!p1 $0x1, $0x1;
	s21 =	smulhi.u32 $0xAAAAAAAB, s24;
	s23 =	sshrl.u32 s20, $0x1  }
0x27: {  	[tilespmem:s15], [sflag:$0x2] =	stream.linear.gather [hbm4b:s7+s24], $0x500, $0x38;
	[tilespmem:$0x4500] =	vst v63  }
0x28: {  	p2 =	por p2, p1;
	s21 =	sshrl.u32 s21, $0x1;
	s25 =	smul.u32 $0xFFFFFFF4, s23  }
0x29: {  	s18 =	simm.s32 $0x2;
	s22 =	sxor.u32 @!p2 $0xFFFFFFFF, s24;
	s26 =	smul.u32 $0xFFFFFFF4, s21  }
0x2a: {  	s28 =	simm.s32 @!p1 $0x0;
	s22 =	sand.u32 @!p2 $0x1, s22;
	s23 =	smul.u32 $0xFFFFC400, s23  }
0x2b: {  	s20 =	simm.s32 $0x3;
	s30 =	smul.u32 $0xFFFFC400, s21;
	s22 =	sor.u32 @!p2 $0x4, s22  }
0x2c: {  	s21 =	sadd.s32 $0xA0, s12;
	_ =	swait.ge @!p2 [sflag:s22], $0x500;
	s25 =	sshra.s32 s25, $0x2  }
0x2d: {  	s26 =	sshra.s32 s26, $0x2;
	s29 =	sshra.s32 s23, $0x2;
	s31 =	sshra.s32 s30, $0x2  }
.Ltmp2:
0x2e: {  	[sflag:s22] =	ssyncset.done @!p2 $0x0;
	s25 =	sadd.s32 $0x3, s25;
	(pc) =	sbr.rel @!p0 .LBB2_7-.Ltmp2, $4  }
0x2f: {  	s23 =	sadd.s32 $0x1, s26;
	s29 =	sadd.s32 $0xA00, s29;
	[sflag:s22] =	ssyncadd.s32 @!p2 $0xFFFFFB00  }
0x30: {  	[tilespmem:s29], [sflag:s25] =	stream.linear.gather @!p1 [hbm4b:s12+s28], $0x500, $0x38;
	[tilespmem:$0x4500] =	vst v63  }
0x31: {  	s26 =	sand.u32 $0x1, s24;
	s24 =	sadd.s32 $0x0, s31;
	_ =	swait.ge [sflag:s23], $0x500  }
0x32: {  	s22 =	simm.s32 $0x4;
	[sflag:s23] =	ssyncset.done $0x0;
	s25 =	rddreg [dreg:$0x3]  }
.LBB2_6:
0x33: {  	[sflag:s23] =	ssyncadd.s32 $0xFFFFFB00;
	s0 =	sor.u32 $0x4, s26  }
0x34: {  	s26 =	smov.u32 s16;
	s16 =	sadd.s32 $0x1, s16;
	s28 =	smov.u32 s17  }
0x35: {  	s29 =	smov.u32 s18;
	s31 =	smov.u32 s19;
	s17 =	sadd.s32 $0x500, s17  }
0x36: {  	s1 =	smulhi.u32 $0xAAAAAAAB, s20;
	s18 =	sadd.s32 $0x1, s18;
	s30 =	sadd.s32 $0x2, s26  }
0x37: {  	[spmem:s2] =	stream.indirect.scatter.add.f32 [tilespmem:s25], [sflag:s0], $0x1, s24, s15, $0xb8;
	[tilespmem:$0x4500] =	vst v63  }
0x38: {  	s19 =	sadd.s32 $0x500, s19;
	s20 =	sadd.s32 $0x1, s20;
	p1 =	sge.u32 s30, s5  }
0x39: {  	p0 =	sne.s32 s5, s16;
	s24 =	smov.u32 s21;
	p2 =	seq.s32 @!p1 s26, $0x0  }
0x3a: {  	s13 =	smulhi.u32 $0xAAAAAAAB, s26;
	s23 =	sshrl.u32 s1, $0x1;
	p2 =	por p2, p1  }
0x3b: {  	s21 =	sadd.s32 $0xA0, s21;
	s0 =	smul.u32 $0xFFFFFFF4, s23;
	s30 =	sxor.u32 @!p2 $0xFFFFFFFF, s26  }
0x3c: {  	s25 =	sshrl.u32 s13, $0x1;
	s23 =	smul.u32 $0xFFFFC400, s23;
	s30 =	sand.u32 @!p2 $0x1, s30  }
0x3d: {  	s13 =	simm.s32 @!p1 $0x0;
	s1 =	smul.u32 $0xFFFFFFF4, s25;
	s30 =	sor.u32 @!p2 $0x4, s30  }
0x3e: {  	s0 =	sshra.s32 s0, $0x2;
	s26 =	sand.u32 $0x1, s26;
	_ =	swait.ge @!p2 [sflag:s30], $0x500  }
0x3f: {  	s0 =	sadd.s32 s0, s22;
	s1 =	sshra.s32 s1, $0x2;
	[sflag:s30] =	ssyncset.done @!p2 $0x0  }
.Ltmp3:
0x40: {  	[sflag:s30] =	ssyncadd.s32 @!p2 $0xFFFFFB00;
	s30 =	sshra.s32 s23, $0x2;
	(pc) =	sbr.rel @p0 .LBB2_6-.Ltmp3, $4  }
0x41: {  	s23 =	sadd.s32 s1, s29;
	s29 =	smul.u32 $0xFFFFC400, s25;
	s25 =	sadd.s32 s30, s31  }
0x42: {  	[tilespmem:s25], [sflag:s0] =	stream.linear.gather @!p1 [hbm4b:s24+s13], $0x500, $0x38;
	[tilespmem:$0x4500] =	vst v63  }
0x43: {  	s22 =	sadd.s32 $0x1, s22;
	s31 =	sshra.s32 s29, $0x2;
	_ =	swait.ge [sflag:s23], $0x500  }
0x44: {  	s24 =	sadd.s32 s31, s28;
	[sflag:s23] =	ssyncset.done $0x0;
	s25 =	rddreg [dreg:$0x3]  }
.LBB2_7:
0x45: {  	[sflag:s23] =	ssyncadd.s32 $0xFFFFFB00;
	s0 =	sor.u32 $0x4, s26  }
0x46: {  	[spmem:s2] =	stream.indirect.scatter.add.f32 [tilespmem:s25], [sflag:s0], $0x1, s24, s15, $0xb8;
	[tilespmem:$0x4500] =	vst v63  }
0x47: {  	_ =	swait.ge [sflag:s8], $0x500  }
0x48: {  	[sflag:s8] =	ssyncset.done $0x0  }
0x49: {  	[sflag:s8] =	ssyncadd.s32 $0xFFFFFB00  }
0x4a: {  	_ =	swait.ge [sflag:s8], $0x500  }
0x4b: {  	[sflag:s8] =	ssyncset.done $0x0  }
0x4c: {  	[sflag:s8] =	ssyncadd.s32 $0xFFFFFB00  }
0x4d: {  	s31 =	stileid.u32;
	_ =	swait.ge [sflag:s9], $0x500  }
0x4e: {  	s1 =	sshrl.u32 s4, $0x3;
	s3 =	sadd.s32 $0x1, s3;
	[sflag:s9] =	ssyncset.done $0x0  }
0x4f: {  	s0 =	sshll.u32 s31, $0x6;
	p0 =	sne.s32 s3, s11;
	[sflag:s9] =	ssyncadd.s32 $0xFFFFFB00  }
.Ltmp4:
0x50: {  	s0 =	sor.u32 $0x1C06, s0;
	[bflag:$0x0] =	sbarrier.arrive $0xFFFF;
	(pc) =	sbr.rel @p0 .LBB2_1-.Ltmp4, $4  }
0x51: {  	[hbm:s10], [sflag:s0] =	dma.local [spmem:s1], $0x310  }
0x52: {  	_ =	swait.ge [sflag:s14], $0x310  }
0x53: {  	[sflag:s14] =	ssyncset.done $0x0  }
0x54: {  	[sflag:s14] =	ssyncadd.s32 $0xFFFFFCF0  }
0x55: {  	_ =	sfence.sel $0x180000  }
0x56: {  	[bflag:$0x0] =	sbarrier.arrive $0xFFFF  }
0x57: {  	_ =	strace $0x90000047  }
0x58: {  	s0 =	stileid.u32;
	[bflag:$0x2] =	sbarrier.arrive $0xFFFF  }
0x59: {  	p0 =	sne.s32 s0, $0x0;
	s0 =	rddreg [dreg:$0x2]  }
0x5a: {  	s0 =	sadd.s32 @!p0 $0x100000, s0  }
0x5b: {  	[sflag:s0] =	ssyncadd.tile.s32 @!p0 $0x1;
	_ =	shalt  }
.Lfunc_end2:
_tile_overlayer_lowered:
.L_overlay_start_2:
0x5c: {  	(tag) =	ssettag $0x2  }
0x5d: {  	s0 =	rddreg [dreg:$0x0];
	s2 =	stileid.u32  }
0x5e: {  	s1 =	rddreg [dreg:$0x1];
	p0 =	sne.s32 s2, $0x0  }
0x5f: {  	s3 =	rddreg [dreg:$0x2];
	[bflag:$0x3] =	sbarrier.arrive $0xFFFF;
	s2 =	simm.s32 @!p0 $0x1C06  }
0x60: {  	[timem:s3], [sflag:s2] =	dma.local @!p0 [hbm:s0], s1  }
0x61: {  	s0 =	simm.s32 @!p0 $0x6  }
0x62: {  	_ =	swait.ge @!p0 [sflag:s0], s1  }
0x63: {  	s1 =	ssub.s32 @!p0 $0x0, s1;
	[sflag:s0] =	ssyncset.done @!p0 $0x0  }
0x64: {  	[sflag:s0] =	ssyncadd.s32 @!p0 s1  }
0x65: {  	[bflag:$0x3] =	sbarrier.arrive $0xFFFF  }
0x66: {  	_ =	shalt  }

</sc_bundles>
